<compile_context>
chip_gen: v7x
topology: tpu7x:2x2x1
jax: 0.10.2.dev20260603
libtpu: 0.0.44.dev20260713+nightly
codegen_flags: <defaults>
</compile_context>

<pallas_src>
import functools

import jax
import jax.numpy as jnp
from jax import lax
from jax.experimental import pallas as pl
from jax.experimental.pallas import tpu as pltpu
from jax.experimental.pallas import tpu_sc as plsc

B, V, J, K = 512, 10475, 55, 21
JK = J + K
NC, NS = 2, 16
NW = NC * NS


def _sc_gather(vT, sT, jT, idxc):
    mesh = plsc.VectorSubcoreMesh(core_axis_name="c", subcore_axis_name="s")

    @functools.partial(
        pl.kernel,
        out_type=jax.ShapeDtypeStruct((JK, 4, 4, B), jnp.float32),
        mesh=mesh,
        compiler_params=pltpu.CompilerParams(
            needs_layout_passes=False, use_tc_tiling_on_sc=True),
        scratch_types=[
            pltpu.VMEM((K, 24), jnp.int32),
            pltpu.VMEM((3, 8, B), jnp.float32),
            pltpu.VMEM((4, 4, B), jnp.float32),
            pltpu.VMEM((5, 4, 4, B), jnp.float32),
            pltpu.SemaphoreType.DMA,
        ],
    )
    def k(vT_hbm, sT_hbm, jT_hbm, idxc_hbm, oT_hbm,
          idxc_v, vrows_v, slab_v, jstage_v, sem):
        w = lax.axis_index("s") * NC + lax.axis_index("c")

        @pl.when(w >= K)
        def _():
            base = (w - K) * 5
            pltpu.async_copy(jT_hbm.at[pl.ds(base, 5)], jstage_v, sem).wait()
            pltpu.async_copy(jstage_v, oT_hbm.at[pl.ds(base, 5)], sem).wait()

        @pl.when(w < K)
        def _():
            j = w
            pltpu.sync_copy(idxc_hbm.at[j], idxc_v.at[j])
            i = idxc_v[j, pl.ds(0, 16)][0]
            gcps = [pltpu.async_copy(sT_hbm.at[i], slab_v, sem)]
            for c in range(3):
                gcps.append(pltpu.async_copy(
                    vT_hbm.at[c].at[idxc_v.at[j, pl.ds(16, 8)]],
                    vrows_v.at[c], sem))
            for cp in gcps:
                cp.wait()
            for r in range(3):
                for g in range(B // 16):
                    slab_v[r, 3, pl.ds(g * 16, 16)] = (
                        vrows_v[r, 0, pl.ds(g * 16, 16)])
            pltpu.sync_copy(slab_v, oT_hbm.at[J + j])

    return k(vT, sT, jT, idxc)


def kernel(vertices, joints_transforms, skinning_transforms, extra_joints_idxs):
    idx32 = extra_joints_idxs.astype(jnp.int32)
    idxc = jnp.broadcast_to(idx32[:, None], (K, 24))
    oT = _sc_gather(
        vertices.transpose(2, 1, 0),
        skinning_transforms.transpose(1, 2, 3, 0),
        joints_transforms.transpose(1, 2, 3, 0),
        idxc,
    )
    return oT.transpose(3, 0, 1, 2)

# --- scband reference (transcript-rebuilt; emitter-appended) ---
"""Pipeline reference for scband-vertex-joint-selector-11407433138632 (READ-ONLY COPY).

The authoritative reference and input builder live on the scoring server;
editing this copy changes nothing except your own understanding.
"""

import jax, jax.numpy as jnp
import numpy as np

VERTEX_IDS = {"nose": 9120, "reye": 9929, "leye": 9448, "rear": 616, "lear": 6,
              "LBigToe": 5770, "LSmallToe": 5780, "LHeel": 8846,
              "RBigToe": 8463, "RSmallToe": 8474, "RHeel": 8635,
              "lthumb": 2746, "lindex": 2319, "lmiddle": 2445, "lring": 2556, "lpinky": 2673,
              "rthumb": 6191, "rindex": 5782, "rmiddle": 5905, "rring": 6016, "rpinky": 6133}

def _build_extra_joints_idxs():
    face = [VERTEX_IDS[k] for k in ['nose', 'reye', 'leye', 'rear', 'lear']]
    feet = [VERTEX_IDS[k] for k in ['LBigToe', 'LSmallToe', 'LHeel', 'RBigToe', 'RSmallToe', 'RHeel']]
    tips = []
    for hand_id in ['l', 'r']:
        for tip_name in ['thumb', 'index', 'middle', 'ring', 'pinky']:
            tips.append(VERTEX_IDS[hand_id + tip_name])
    return jnp.asarray(np.array(face + feet + tips, dtype=np.int64))

def setup_inputs(seed: int = 0) -> dict:
    key = jax.random.key(seed)
    k1, k2, k3 = jax.random.split(key, 3)
    B, V, J = 512, 10475, 55
    return {
        "vertices": jax.random.normal(k1, (B, V, 3), dtype=jnp.float32),
        "joints_transforms": jax.random.normal(k2, (B, J, 4, 4), dtype=jnp.float32),
        "skinning_transforms": jax.random.normal(k3, (B, V, 4, 4), dtype=jnp.float32),
        "extra_joints_idxs": _build_extra_joints_idxs(),
    }

def reference(vertices, joints_transforms, skinning_transforms, extra_joints_idxs):
    # torch.index_select(vertices, 1, idxs)
    extra_joints = jnp.take(vertices, extra_joints_idxs, axis=1)           # [B, 21, 3]
    # torch.index_select(skinning_transforms, 1, idxs).clone()
    extra_transforms = jnp.take(skinning_transforms, extra_joints_idxs, axis=1)  # [B, 21, 4, 4]
    # extra_transforms[..., :3, 3] = extra_joints
    extra_transforms = extra_transforms.at[..., :3, 3].set(extra_joints)
    # LBSOutput(_joints_transforms=cat([joints_transforms, extra_transforms], dim=1))
    return jnp.concatenate([joints_transforms, extra_transforms], axis=1)   # [B, 76, 4, 4]

if __name__ == "__main__":
    import jax
    _d = setup_inputs()
    print(jax.jit(kernel)(*tuple(_d.values())))

</pallas_src>

<mosaic_0001>
#map = affine_map<(d0, d1) -> (0, 0, 0)>
#map1 = affine_map<(d0, d1) -> (0, 0, 0, 0)>
#map2 = affine_map<(d0, d1) -> (0, 0)>
module attributes {stable_mosaic.version = 14 : i64} {
  func.func @k(%arg0: i32, %arg1: i32, %arg2: memref<3x10475x512xf32, #tpu.memory_space<hbm>>, %arg3: memref<10475x4x4x512xf32, #tpu.memory_space<hbm>>, %arg4: memref<55x4x4x512xf32, #tpu.memory_space<hbm>>, %arg5: memref<21x24xi32, #tpu.memory_space<hbm>>, %arg6: memref<76x4x4x512xf32, #tpu.memory_space<hbm>>, %arg7: memref<21x24xi32, #tpu.memory_space<vmem>>, %arg8: memref<3x8x512xf32, #tpu.memory_space<vmem>>, %arg9: memref<4x4x512xf32, #tpu.memory_space<vmem>>, %arg10: memref<5x4x4x512xf32, #tpu.memory_space<vmem>>, %arg11: memref<!tpu.dma_semaphore, #tpu.memory_space<semaphore_mem>>) attributes {dimension_semantics = [#tpu.dimension_semantics<core_parallel>, #tpu.dimension_semantics<subcore_parallel>], iteration_bounds = array<i64: 2, 16>, scalar_prefetch = 0 : i64, scratch_operands = 5 : i64, tpu.core_type = #tpu.core_type<sc_vector_subcore>, window_params = [{transform_indices = #map}, {transform_indices = #map1}, {transform_indices = #map1}, {transform_indices = #map2}, {transform_indices = #map1}]} {
    %mul3A = arith.constant 2 : i32
    %mul3A_0 = arith.muli %arg1, %mul3A : i32
    %add3A = arith.addi %mul3A_0, %arg0 : i32
    %ge3A = arith.constant 21 : i32
    %ge3A_1 = arith.cmpi sge, %add3A, %ge3A : i32
    %convert_element_type3A = arith.extui %ge3A_1 : i1 to i32
    %cond3A = arith.constant 0 : i32
    %cond3A_2 = arith.cmpi ne, %convert_element_type3A, %cond3A : i32
    scf.if %cond3A_2 {
      %sub3A = arith.constant 21 : i32
      %sub3A_7 = arith.subi %add3A, %sub3A : i32
      %mul3A_8 = arith.constant 5 : i32
      %mul3A_9 = arith.muli %sub3A_7, %mul3A_8 : i32
      %dma_start3A = arith.constant 0 : i32
      %dma_start3A_10 = arith.constant 0 : i32
      %dma_start3A_11 = arith.constant 0 : i32
      %dma_start3A_12 = tpu.memref_slice %arg4[%mul3A_9, %dma_start3A, %dma_start3A_10, %dma_start3A_11] : memref<55x4x4x512xf32, #tpu.memory_space<hbm>> -> memref<5x4x4x512xf32, #tpu.memory_space<hbm>>
      %dma_start3A_13 = arith.constant 0 : i32
      %dma_start3A_14 = arith.constant 0 : i32
      %dma_start3A_15 = arith.constant 0 : i32
      %dma_start3A_16 = tpu.memref_slice %arg4[%mul3A_9, %dma_start3A_13, %dma_start3A_14, %dma_start3A_15] : memref<55x4x4x512xf32, #tpu.memory_space<hbm>> -> memref<5x4x4x512xf32, #tpu.memory_space<hbm>>
      tpu.enqueue_dma source(%dma_start3A_16 : memref<5x4x4x512xf32, #tpu.memory_space<hbm>>) target(%arg10 : memref<5x4x4x512xf32, #tpu.memory_space<vmem>>) target_semaphore(%arg11 : memref<!tpu.dma_semaphore, #tpu.memory_space<semaphore_mem>>)
      %dma_wait3A = arith.constant 0 : i32
      %dma_wait3A_17 = arith.constant 0 : i32
      %dma_wait3A_18 = arith.constant 0 : i32
      %dma_wait3A_19 = tpu.memref_slice %arg4[%mul3A_9, %dma_wait3A, %dma_wait3A_17, %dma_wait3A_18] : memref<55x4x4x512xf32, #tpu.memory_space<hbm>> -> memref<5x4x4x512xf32, #tpu.memory_space<hbm>>
      %dma_wait3A_20 = arith.constant 0 : i32
      %dma_wait3A_21 = arith.constant 0 : i32
      %dma_wait3A_22 = arith.constant 0 : i32
      %dma_wait3A_23 = tpu.memref_slice %arg4[%mul3A_9, %dma_wait3A_20, %dma_wait3A_21, %dma_wait3A_22] : memref<55x4x4x512xf32, #tpu.memory_space<hbm>> -> memref<5x4x4x512xf32, #tpu.memory_space<hbm>>
      tpu.wait_dma2 semaphore(%arg11 : memref<!tpu.dma_semaphore, #tpu.memory_space<semaphore_mem>>) src(%dma_wait3A_23 : memref<5x4x4x512xf32, #tpu.memory_space<hbm>>) dst(%arg10 : memref<5x4x4x512xf32, #tpu.memory_space<vmem>>)
      %dma_start3A_24 = arith.constant 0 : i32
      %dma_start3A_25 = arith.constant 0 : i32
      %dma_start3A_26 = arith.constant 0 : i32
      %dma_start3A_27 = tpu.memref_slice %arg6[%mul3A_9, %dma_start3A_24, %dma_start3A_25, %dma_start3A_26] : memref<76x4x4x512xf32, #tpu.memory_space<hbm>> -> memref<5x4x4x512xf32, #tpu.memory_space<hbm>>
      %dma_start3A_28 = arith.constant 0 : i32
      %dma_start3A_29 = arith.constant 0 : i32
      %dma_start3A_30 = arith.constant 0 : i32
      %dma_start3A_31 = tpu.memref_slice %arg6[%mul3A_9, %dma_start3A_28, %dma_start3A_29, %dma_start3A_30] : memref<76x4x4x512xf32, #tpu.memory_space<hbm>> -> memref<5x4x4x512xf32, #tpu.memory_space<hbm>>
      tpu.enqueue_dma source(%arg10 : memref<5x4x4x512xf32, #tpu.memory_space<vmem>>) target(%dma_start3A_31 : memref<5x4x4x512xf32, #tpu.memory_space<hbm>>) target_semaphore(%arg11 : memref<!tpu.dma_semaphore, #tpu.memory_space<semaphore_mem>>)
      %dma_wait3A_32 = arith.constant 0 : i32
      %dma_wait3A_33 = arith.constant 0 : i32
      %dma_wait3A_34 = arith.constant 0 : i32
      %dma_wait3A_35 = tpu.memref_slice %arg6[%mul3A_9, %dma_wait3A_32, %dma_wait3A_33, %dma_wait3A_34] : memref<76x4x4x512xf32, #tpu.memory_space<hbm>> -> memref<5x4x4x512xf32, #tpu.memory_space<hbm>>
      %dma_wait3A_36 = arith.constant 0 : i32
      %dma_wait3A_37 = arith.constant 0 : i32
      %dma_wait3A_38 = arith.constant 0 : i32
      %dma_wait3A_39 = tpu.memref_slice %arg6[%mul3A_9, %dma_wait3A_36, %dma_wait3A_37, %dma_wait3A_38] : memref<76x4x4x512xf32, #tpu.memory_space<hbm>> -> memref<5x4x4x512xf32, #tpu.memory_space<hbm>>
      tpu.wait_dma2 semaphore(%arg11 : memref<!tpu.dma_semaphore, #tpu.memory_space<semaphore_mem>>) src(%arg10 : memref<5x4x4x512xf32, #tpu.memory_space<vmem>>) dst(%dma_wait3A_39 : memref<5x4x4x512xf32, #tpu.memory_space<hbm>>)
    } else {
    }
    %lt3A = arith.constant 21 : i32
    %lt3A_3 = arith.cmpi slt, %add3A, %lt3A : i32
    %convert_element_type3A_4 = arith.extui %lt3A_3 : i1 to i32
    %cond3A_5 = arith.constant 0 : i32
    %cond3A_6 = arith.cmpi ne, %convert_element_type3A_4, %cond3A_5 : i32
    scf.if %cond3A_6 {
      "tpu.region"() ({
        %run_scoped3A = tpu.sem_alloc : memref<!tpu.dma_semaphore, #tpu.memory_space<semaphore_mem>>
        %dma_start3A_1276 = arith.constant 0 : i32
        %dma_start3A_1277 = tpu.memref_slice %arg7[%add3A, %dma_start3A_1276] : memref<21x24xi32, #tpu.memory_space<vmem>> -> memref<1x24xi32, #tpu.memory_space<vmem>>
        %dma_start3A_1278 = tpu.memref_squeeze %dma_start3A_1277 : memref<1x24xi32, #tpu.memory_space<vmem>> -> memref<24xi32, #tpu.memory_space<vmem>>
        %dma_start3A_1279 = arith.constant 0 : i32
        %dma_start3A_1280 = tpu.memref_slice %arg5[%add3A, %dma_start3A_1279] : memref<21x24xi32, #tpu.memory_space<hbm>> -> memref<1x24xi32, #tpu.memory_space<hbm>>
        %dma_start3A_1281 = tpu.memref_squeeze %dma_start3A_1280 : memref<1x24xi32, #tpu.memory_space<hbm>> -> memref<24xi32, #tpu.memory_space<hbm>>
        %dma_start3A_1282 = arith.constant 0 : i32
        %dma_start3A_1283 = tpu.memref_slice %arg7[%add3A, %dma_start3A_1282] : memref<21x24xi32, #tpu.memory_space<vmem>> -> memref<1x24xi32, #tpu.memory_space<vmem>>
        %dma_start3A_1284 = tpu.memref_squeeze %dma_start3A_1283 : memref<1x24xi32, #tpu.memory_space<vmem>> -> memref<24xi32, #tpu.memory_space<vmem>>
        %dma_start3A_1285 = arith.constant 0 : i32
        %dma_start3A_1286 = tpu.memref_slice %arg5[%add3A, %dma_start3A_1285] : memref<21x24xi32, #tpu.memory_space<hbm>> -> memref<1x24xi32, #tpu.memory_space<hbm>>
        %dma_start3A_1287 = tpu.memref_squeeze %dma_start3A_1286 : memref<1x24xi32, #tpu.memory_space<hbm>> -> memref<24xi32, #tpu.memory_space<hbm>>
        tpu.enqueue_dma source(%dma_start3A_1287 : memref<24xi32, #tpu.memory_space<hbm>>) target(%dma_start3A_1284 : memref<24xi32, #tpu.memory_space<vmem>>) target_semaphore(%run_scoped3A : memref<!tpu.dma_semaphore, #tpu.memory_space<semaphore_mem>>)
        %dma_wait3A_1288 = arith.constant 0 : i32
        %dma_wait3A_1289 = tpu.memref_slice %arg7[%add3A, %dma_wait3A_1288] : memref<21x24xi32, #tpu.memory_space<vmem>> -> memref<1x24xi32, #tpu.memory_space<vmem>>
        %dma_wait3A_1290 = tpu.memref_squeeze %dma_wait3A_1289 : memref<1x24xi32, #tpu.memory_space<vmem>> -> memref<24xi32, #tpu.memory_space<vmem>>
        %dma_wait3A_1291 = arith.constant 0 : i32
        %dma_wait3A_1292 = tpu.memref_slice %arg5[%add3A, %dma_wait3A_1291] : memref<21x24xi32, #tpu.memory_space<hbm>> -> memref<1x24xi32, #tpu.memory_space<hbm>>
        %dma_wait3A_1293 = tpu.memref_squeeze %dma_wait3A_1292 : memref<1x24xi32, #tpu.memory_space<hbm>> -> memref<24xi32, #tpu.memory_space<hbm>>
        %dma_wait3A_1294 = arith.constant 0 : i32
        %dma_wait3A_1295 = tpu.memref_slice %arg7[%add3A, %dma_wait3A_1294] : memref<21x24xi32, #tpu.memory_space<vmem>> -> memref<1x24xi32, #tpu.memory_space<vmem>>
        %dma_wait3A_1296 = tpu.memref_squeeze %dma_wait3A_1295 : memref<1x24xi32, #tpu.memory_space<vmem>> -> memref<24xi32, #tpu.memory_space<vmem>>
        %dma_wait3A_1297 = arith.constant 0 : i32
        %dma_wait3A_1298 = tpu.memref_slice %arg5[%add3A, %dma_wait3A_1297] : memref<21x24xi32, #tpu.memory_space<hbm>> -> memref<1x24xi32, #tpu.memory_space<hbm>>
        %dma_wait3A_1299 = tpu.memref_squeeze %dma_wait3A_1298 : memref<1x24xi32, #tpu.memory_space<hbm>> -> memref<24xi32, #tpu.memory_space<hbm>>
        tpu.wait_dma2 semaphore(%run_scoped3A : memref<!tpu.dma_semaphore, #tpu.memory_space<semaphore_mem>>) src(%dma_wait3A_1299 : memref<24xi32, #tpu.memory_space<hbm>>) dst(%dma_wait3A_1296 : memref<24xi32, #tpu.memory_space<vmem>>)
        tpu.yield
      }) : () -> ()
      %get3A = arith.index_cast %add3A : i32 to index
      %get3A_7 = arith.constant 0 : index
      %get3A_8 = tpu.vector_load %arg7[%get3A, %get3A_7] {strides = array<i32>} : memref<21x24xi32, #tpu.memory_space<vmem>>, vector<16xi32>,
      %slice3A = vector.extract_strided_slice %get3A_8 {offsets = [0], sizes = [1], strides = [1]} : vector<16xi32> to vector<1xi32>
      %squeeze3A = vector.extract %slice3A[0] : i32 from vector<1xi32>
      %dma_start3A = arith.constant 0 : i32
      %dma_start3A_9 = arith.constant 0 : i32
      %dma_start3A_10 = arith.constant 0 : i32
      %dma_start3A_11 = tpu.memref_slice %arg3[%squeeze3A, %dma_start3A, %dma_start3A_9, %dma_start3A_10] : memref<10475x4x4x512xf32, #tpu.memory_space<hbm>> -> memref<1x4x4x512xf32, #tpu.memory_space<hbm>>
      %dma_start3A_12 = tpu.memref_squeeze %dma_start3A_11 : memref<1x4x4x512xf32, #tpu.memory_space<hbm>> -> memref<4x4x512xf32, #tpu.memory_space<hbm>>
      %dma_start3A_13 = arith.constant 0 : i32
      %dma_start3A_14 = arith.constant 0 : i32
      %dma_start3A_15 = arith.constant 0 : i32
      %dma_start3A_16 = tpu.memref_slice %arg3[%squeeze3A, %dma_start3A_13, %dma_start3A_14, %dma_start3A_15] : memref<10475x4x4x512xf32, #tpu.memory_space<hbm>> -> memref<1x4x4x512xf32, #tpu.memory_space<hbm>>
      %dma_start3A_17 = tpu.memref_squeeze %dma_start3A_16 : memref<1x4x4x512xf32, #tpu.memory_space<hbm>> -> memref<4x4x512xf32, #tpu.memory_space<hbm>>
      tpu.enqueue_dma source(%dma_start3A_17 : memref<4x4x512xf32, #tpu.memory_space<hbm>>) target(%arg9 : memref<4x4x512xf32, #tpu.memory_space<vmem>>) target_semaphore(%arg11 : memref<!tpu.dma_semaphore, #tpu.memory_space<semaphore_mem>>)
      %dma_start3A_18 = arith.constant 0 : i32
      %dma_start3A_19 = arith.constant 0 : i32
      %dma_start3A_20 = arith.constant 0 : i32
      %dma_start3A_21 = arith.constant 0 : i32
      %dma_start3A_22 = tpu.memref_slice %arg8[%dma_start3A_19, %dma_start3A_20, %dma_start3A_21] : memref<3x8x512xf32, #tpu.memory_space<vmem>> -> memref<1x8x512xf32, #tpu.memory_space<vmem>>
      %dma_start3A_23 = tpu.memref_squeeze %dma_start3A_22 : memref<1x8x512xf32, #tpu.memory_space<vmem>> -> memref<8x512xf32, #tpu.memory_space<vmem>>
      %dma_start3A_24 = arith.constant 16 : i32
      %dma_start3A_25 = tpu.memref_slice %arg7[%add3A, %dma_start3A_24] : memref<21x24xi32, #tpu.memory_space<vmem>> -> memref<1x8xi32, #tpu.memory_space<vmem>>
      %dma_start3A_26 = tpu.memref_squeeze %dma_start3A_25 : memref<1x8xi32, #tpu.memory_space<vmem>> -> memref<8xi32, #tpu.memory_space<vmem>>
      %dma_start3A_27 = arith.constant 0 : i32
      %dma_start3A_28 = arith.constant 0 : i32
      %dma_start3A_29 = tpu.memref_slice %arg2[%dma_start3A_18, %dma_start3A_27, %dma_start3A_28] : memref<3x10475x512xf32, #tpu.memory_space<hbm>> -> memref<1x10475x512xf32, #tpu.memory_space<hbm>>
      %dma_start3A_30 = tpu.memref_squeeze %dma_start3A_29 : memref<1x10475x512xf32, #tpu.memory_space<hbm>> -> memref<10475x512xf32, #tpu.memory_space<hbm>>
      %dma_start3A_31 = arith.constant 0 : i32
      %dma_start3A_32 = arith.constant 0 : i32
      %dma_start3A_33 = tpu.memref_slice %dma_start3A_30[%dma_start3A_31, %dma_start3A_32] : memref<10475x512xf32, #tpu.memory_space<hbm>> -> memref<10475x512xf32, #tpu.memory_space<hbm>>
      tpu.enqueue_indirect_dma source(%dma_start3A_33 : memref<10475x512xf32, #tpu.memory_space<hbm>>) target(%dma_start3A_23 : memref<8x512xf32, #tpu.memory_space<vmem>>) offsets(%dma_start3A_26 : memref<8xi32, #tpu.memory_space<vmem>>) semaphore(%arg11 : memref<!tpu.dma_semaphore, #tpu.memory_space<semaphore_mem>>)
      %dma_start3A_34 = arith.constant 1 : i32
      %dma_start3A_35 = arith.constant 1 : i32
      %dma_start3A_36 = arith.constant 0 : i32
      %dma_start3A_37 = arith.constant 0 : i32
      %dma_start3A_38 = tpu.memref_slice %arg8[%dma_start3A_35, %dma_start3A_36, %dma_start3A_37] : memref<3x8x512xf32, #tpu.memory_space<vmem>> -> memref<1x8x512xf32, #tpu.memory_space<vmem>>
      %dma_start3A_39 = tpu.memref_squeeze %dma_start3A_38 : memref<1x8x512xf32, #tpu.memory_space<vmem>> -> memref<8x512xf32, #tpu.memory_space<vmem>>
      %dma_start3A_40 = arith.constant 16 : i32
      %dma_start3A_41 = tpu.memref_slice %arg7[%add3A, %dma_start3A_40] : memref<21x24xi32, #tpu.memory_space<vmem>> -> memref<1x8xi32, #tpu.memory_space<vmem>>
      %dma_start3A_42 = tpu.memref_squeeze %dma_start3A_41 : memref<1x8xi32, #tpu.memory_space<vmem>> -> memref<8xi32, #tpu.memory_space<vmem>>
      %dma_start3A_43 = arith.constant 0 : i32
      %dma_start3A_44 = arith.constant 0 : i32
      %dma_start3A_45 = tpu.memref_slice %arg2[%dma_start3A_34, %dma_start3A_43, %dma_start3A_44] : memref<3x10475x512xf32, #tpu.memory_space<hbm>> -> memref<1x10475x512xf32, #tpu.memory_space<hbm>>
      %dma_start3A_46 = tpu.memref_squeeze %dma_start3A_45 : memref<1x10475x512xf32, #tpu.memory_space<hbm>> -> memref<10475x512xf32, #tpu.memory_space<hbm>>
      %dma_start3A_47 = arith.constant 0 : i32
      %dma_start3A_48 = arith.constant 0 : i32
      %dma_start3A_49 = tpu.memref_slice %dma_start3A_46[%dma_start3A_47, %dma_start3A_48] : memref<10475x512xf32, #tpu.memory_space<hbm>> -> memref<10475x512xf32, #tpu.memory_space<hbm>>
      tpu.enqueue_indirect_dma source(%dma_start3A_49 : memref<10475x512xf32, #tpu.memory_space<hbm>>) target(%dma_start3A_39 : memref<8x512xf32, #tpu.memory_space<vmem>>) offsets(%dma_start3A_42 : memref<8xi32, #tpu.memory_space<vmem>>) semaphore(%arg11 : memref<!tpu.dma_semaphore, #tpu.memory_space<semaphore_mem>>)
      %dma_start3A_50 = arith.constant 2 : i32
      %dma_start3A_51 = arith.constant 2 : i32
      %dma_start3A_52 = arith.constant 0 : i32
      %dma_start3A_53 = arith.constant 0 : i32
      %dma_start3A_54 = tpu.memref_slice %arg8[%dma_start3A_51, %dma_start3A_52, %dma_start3A_53] : memref<3x8x512xf32, #tpu.memory_space<vmem>> -> memref<1x8x512xf32, #tpu.memory_space<vmem>>
      %dma_start3A_55 = tpu.memref_squeeze %dma_start3A_54 : memref<1x8x512xf32, #tpu.memory_space<vmem>> -> memref<8x512xf32, #tpu.memory_space<vmem>>
      %dma_start3A_56 = arith.constant 16 : i32
      %dma_start3A_57 = tpu.memref_slice %arg7[%add3A, %dma_start3A_56] : memref<21x24xi32, #tpu.memory_space<vmem>> -> memref<1x8xi32, #tpu.memory_space<vmem>>
      %dma_start3A_58 = tpu.memref_squeeze %dma_start3A_57 : memref<1x8xi32, #tpu.memory_space<vmem>> -> memref<8xi32, #tpu.memory_space<vmem>>
      %dma_start3A_59 = arith.constant 0 : i32
      %dma_start3A_60 = arith.constant 0 : i32
      %dma_start3A_61 = tpu.memref_slice %arg2[%dma_start3A_50, %dma_start3A_59, %dma_start3A_60] : memref<3x10475x512xf32, #tpu.memory_space<hbm>> -> memref<1x10475x512xf32, #tpu.memory_space<hbm>>
      %dma_start3A_62 = tpu.memref_squeeze %dma_start3A_61 : memref<1x10475x512xf32, #tpu.memory_space<hbm>> -> memref<10475x512xf32, #tpu.memory_space<hbm>>
      %dma_start3A_63 = arith.constant 0 : i32
      %dma_start3A_64 = arith.constant 0 : i32
      %dma_start3A_65 = tpu.memref_slice %dma_start3A_62[%dma_start3A_63, %dma_start3A_64] : memref<10475x512xf32, #tpu.memory_space<hbm>> -> memref<10475x512xf32, #tpu.memory_space<hbm>>
      tpu.enqueue_indirect_dma source(%dma_start3A_65 : memref<10475x512xf32, #tpu.memory_space<hbm>>) target(%dma_start3A_55 : memref<8x512xf32, #tpu.memory_space<vmem>>) offsets(%dma_start3A_58 : memref<8xi32, #tpu.memory_space<vmem>>) semaphore(%arg11 : memref<!tpu.dma_semaphore, #tpu.memory_space<semaphore_mem>>)
      %dma_wait3A = arith.constant 0 : i32
      %dma_wait3A_66 = arith.constant 0 : i32
      %dma_wait3A_67 = arith.constant 0 : i32
      %dma_wait3A_68 = tpu.memref_slice %arg3[%squeeze3A, %dma_wait3A, %dma_wait3A_66, %dma_wait3A_67] : memref<10475x4x4x512xf32, #tpu.memory_space<hbm>> -> memref<1x4x4x512xf32, #tpu.memory_space<hbm>>
      %dma_wait3A_69 = tpu.memref_squeeze %dma_wait3A_68 : memref<1x4x4x512xf32, #tpu.memory_space<hbm>> -> memref<4x4x512xf32, #tpu.memory_space<hbm>>
      %dma_wait3A_70 = arith.constant 0 : i32
      %dma_wait3A_71 = arith.constant 0 : i32
      %dma_wait3A_72 = arith.constant 0 : i32
      %dma_wait3A_73 = tpu.memref_slice %arg3[%squeeze3A, %dma_wait3A_70, %dma_wait3A_71, %dma_wait3A_72] : memref<10475x4x4x512xf32, #tpu.memory_space<hbm>> -> memref<1x4x4x512xf32, #tpu.memory_space<hbm>>
      %dma_wait3A_74 = tpu.memref_squeeze %dma_wait3A_73 : memref<1x4x4x512xf32, #tpu.memory_space<hbm>> -> memref<4x4x512xf32, #tpu.memory_space<hbm>>
      tpu.wait_dma2 semaphore(%arg11 : memref<!tpu.dma_semaphore, #tpu.memory_space<semaphore_mem>>) src(%dma_wait3A_74 : memref<4x4x512xf32, #tpu.memory_space<hbm>>) dst(%arg9 : memref<4x4x512xf32, #tpu.memory_space<vmem>>)
      %dma_wait3A_75 = arith.constant 0 : i32
      %dma_wait3A_76 = arith.constant 0 : i32
      %dma_wait3A_77 = arith.constant 0 : i32
      %dma_wait3A_78 = arith.constant 0 : i32
      %dma_wait3A_79 = tpu.memref_slice %arg8[%dma_wait3A_76, %dma_wait3A_77, %dma_wait3A_78] : memref<3x8x512xf32, #tpu.memory_space<vmem>> -> memref<1x8x512xf32, #tpu.memory_space<vmem>>
      %dma_wait3A_80 = tpu.memref_squeeze %dma_wait3A_79 : memref<1x8x512xf32, #tpu.memory_space<vmem>> -> memref<8x512xf32, #tpu.memory_space<vmem>>
      %dma_wait3A_81 = arith.constant 16 : i32
      %dma_wait3A_82 = tpu.memref_slice %arg7[%add3A, %dma_wait3A_81] : memref<21x24xi32, #tpu.memory_space<vmem>> -> memref<1x8xi32, #tpu.memory_space<vmem>>
      %dma_wait3A_83 = tpu.memref_squeeze %dma_wait3A_82 : memref<1x8xi32, #tpu.memory_space<vmem>> -> memref<8xi32, #tpu.memory_space<vmem>>
      %dma_wait3A_84 = arith.constant 0 : i32
      %dma_wait3A_85 = arith.constant 0 : i32
      %dma_wait3A_86 = tpu.memref_slice %arg2[%dma_wait3A_75, %dma_wait3A_84, %dma_wait3A_85] : memref<3x10475x512xf32, #tpu.memory_space<hbm>> -> memref<1x10475x512xf32, #tpu.memory_space<hbm>>
      %dma_wait3A_87 = tpu.memref_squeeze %dma_wait3A_86 : memref<1x10475x512xf32, #tpu.memory_space<hbm>> -> memref<10475x512xf32, #tpu.memory_space<hbm>>
      %dma_wait3A_88 = arith.constant 0 : i32
      %dma_wait3A_89 = arith.constant 0 : i32
      %dma_wait3A_90 = tpu.memref_slice %dma_wait3A_87[%dma_wait3A_88, %dma_wait3A_89] : memref<10475x512xf32, #tpu.memory_space<hbm>> -> memref<10475x512xf32, #tpu.memory_space<hbm>>
      tpu.wait_indirect_dma semaphore(%arg11 : memref<!tpu.dma_semaphore, #tpu.memory_space<semaphore_mem>>) src(%dma_wait3A_90 : memref<10475x512xf32, #tpu.memory_space<hbm>>) dst(%dma_wait3A_80 : memref<8x512xf32, #tpu.memory_space<vmem>>)
      %dma_wait3A_91 = arith.constant 1 : i32
      %dma_wait3A_92 = arith.constant 1 : i32
      %dma_wait3A_93 = arith.constant 0 : i32
      %dma_wait3A_94 = arith.constant 0 : i32
      %dma_wait3A_95 = tpu.memref_slice %arg8[%dma_wait3A_92, %dma_wait3A_93, %dma_wait3A_94] : memref<3x8x512xf32, #tpu.memory_space<vmem>> -> memref<1x8x512xf32, #tpu.memory_space<vmem>>
      %dma_wait3A_96 = tpu.memref_squeeze %dma_wait3A_95 : memref<1x8x512xf32, #tpu.memory_space<vmem>> -> memref<8x512xf32, #tpu.memory_space<vmem>>
      %dma_wait3A_97 = arith.constant 16 : i32
      %dma_wait3A_98 = tpu.memref_slice %arg7[%add3A, %dma_wait3A_97] : memref<21x24xi32, #tpu.memory_space<vmem>> -> memref<1x8xi32, #tpu.memory_space<vmem>>
      %dma_wait3A_99 = tpu.memref_squeeze %dma_wait3A_98 : memref<1x8xi32, #tpu.memory_space<vmem>> -> memref<8xi32, #tpu.memory_space<vmem>>
      %dma_wait3A_100 = arith.constant 0 : i32
      %dma_wait3A_101 = arith.constant 0 : i32
      %dma_wait3A_102 = tpu.memref_slice %arg2[%dma_wait3A_91, %dma_wait3A_100, %dma_wait3A_101] : memref<3x10475x512xf32, #tpu.memory_space<hbm>> -> memref<1x10475x512xf32, #tpu.memory_space<hbm>>
      %dma_wait3A_103 = tpu.memref_squeeze %dma_wait3A_102 : memref<1x10475x512xf32, #tpu.memory_space<hbm>> -> memref<10475x512xf32, #tpu.memory_space<hbm>>
      %dma_wait3A_104 = arith.constant 0 : i32
      %dma_wait3A_105 = arith.constant 0 : i32
      %dma_wait3A_106 = tpu.memref_slice %dma_wait3A_103[%dma_wait3A_104, %dma_wait3A_105] : memref<10475x512xf32, #tpu.memory_space<hbm>> -> memref<10475x512xf32, #tpu.memory_space<hbm>>
      tpu.wait_indirect_dma semaphore(%arg11 : memref<!tpu.dma_semaphore, #tpu.memory_space<semaphore_mem>>) src(%dma_wait3A_106 : memref<10475x512xf32, #tpu.memory_space<hbm>>) dst(%dma_wait3A_96 : memref<8x512xf32, #tpu.memory_space<vmem>>)
      %dma_wait3A_107 = arith.constant 2 : i32
      %dma_wait3A_108 = arith.constant 2 : i32
      %dma_wait3A_109 = arith.constant 0 : i32
      %dma_wait3A_110 = arith.constant 0 : i32
      %dma_wait3A_111 = tpu.memref_slice %arg8[%dma_wait3A_108, %dma_wait3A_109, %dma_wait3A_110] : memref<3x8x512xf32, #tpu.memory_space<vmem>> -> memref<1x8x512xf32, #tpu.memory_space<vmem>>
      %dma_wait3A_112 = tpu.memref_squeeze %dma_wait3A_111 : memref<1x8x512xf32, #tpu.memory_space<vmem>> -> memref<8x512xf32, #tpu.memory_space<vmem>>
      %dma_wait3A_113 = arith.constant 16 : i32
      %dma_wait3A_114 = tpu.memref_slice %arg7[%add3A, %dma_wait3A_113] : memref<21x24xi32, #tpu.memory_space<vmem>> -> memref<1x8xi32, #tpu.memory_space<vmem>>
      %dma_wait3A_115 = tpu.memref_squeeze %dma_wait3A_114 : memref<1x8xi32, #tpu.memory_space<vmem>> -> memref<8xi32, #tpu.memory_space<vmem>>
      %dma_wait3A_116 = arith.constant 0 : i32
      %dma_wait3A_117 = arith.constant 0 : i32
      %dma_wait3A_118 = tpu.memref_slice %arg2[%dma_wait3A_107, %dma_wait3A_116, %dma_wait3A_117] : memref<3x10475x512xf32, #tpu.memory_space<hbm>> -> memref<1x10475x512xf32, #tpu.memory_space<hbm>>
      %dma_wait3A_119 = tpu.memref_squeeze %dma_wait3A_118 : memref<1x10475x512xf32, #tpu.memory_space<hbm>> -> memref<10475x512xf32, #tpu.memory_space<hbm>>
      %dma_wait3A_120 = arith.constant 0 : i32
      %dma_wait3A_121 = arith.constant 0 : i32
      %dma_wait3A_122 = tpu.memref_slice %dma_wait3A_119[%dma_wait3A_120, %dma_wait3A_121] : memref<10475x512xf32, #tpu.memory_space<hbm>> -> memref<10475x512xf32, #tpu.memory_space<hbm>>
      tpu.wait_indirect_dma semaphore(%arg11 : memref<!tpu.dma_semaphore, #tpu.memory_space<semaphore_mem>>) src(%dma_wait3A_122 : memref<10475x512xf32, #tpu.memory_space<hbm>>) dst(%dma_wait3A_112 : memref<8x512xf32, #tpu.memory_space<vmem>>)
      %get3A_123 = arith.constant 0 : i32
      %get3A_124 = arith.constant 0 : i32
      %get3A_125 = arith.index_cast %get3A_123 : i32 to index
      %get3A_126 = arith.index_cast %get3A_124 : i32 to index
      %get3A_127 = arith.constant 0 : index
      %get3A_128 = tpu.vector_load %arg8[%get3A_125, %get3A_126, %get3A_127] {strides = array<i32>} : memref<3x8x512xf32, #tpu.memory_space<vmem>>, vector<16xf32>,
      %swap3A = arith.constant 0 : i32
      %swap3A_129 = arith.constant 3 : i32
      %swap3A_130 = arith.index_cast %swap3A : i32 to index
      %swap3A_131 = arith.index_cast %swap3A_129 : i32 to index
      %swap3A_132 = arith.constant 0 : index
      %swap3A_133 = tpu.vector_load %arg9[%swap3A_130, %swap3A_131, %swap3A_132] {strides = array<i32>} : memref<4x4x512xf32, #tpu.memory_space<vmem>>, vector<16xf32>,
      tpu.vector_store %arg9[%swap3A_130, %swap3A_131, %swap3A_132], %get3A_128 {strides = array<i32>} : memref<4x4x512xf32, #tpu.memory_space<vmem>>, vector<16xf32>,
      %get3A_134 = arith.constant 0 : i32
      %get3A_135 = arith.constant 0 : i32
      %get3A_136 = arith.index_cast %get3A_134 : i32 to index
      %get3A_137 = arith.index_cast %get3A_135 : i32 to index
      %get3A_138 = arith.constant 16 : index
      %get3A_139 = tpu.vector_load %arg8[%get3A_136, %get3A_137, %get3A_138] {strides = array<i32>} : memref<3x8x512xf32, #tpu.memory_space<vmem>>, vector<16xf32>,
      %swap3A_140 = arith.constant 0 : i32
      %swap3A_141 = arith.constant 3 : i32
      %swap3A_142 = arith.index_cast %swap3A_140 : i32 to index
      %swap3A_143 = arith.index_cast %swap3A_141 : i32 to index
      %swap3A_144 = arith.constant 16 : index
      %swap3A_145 = tpu.vector_load %arg9[%swap3A_142, %swap3A_143, %swap3A_144] {strides = array<i32>} : memref<4x4x512xf32, #tpu.memory_space<vmem>>, vector<16xf32>,
      tpu.vector_store %arg9[%swap3A_142, %swap3A_143, %swap3A_144], %get3A_139 {strides = array<i32>} : memref<4x4x512xf32, #tpu.memory_space<vmem>>, vector<16xf32>,
      %get3A_146 = arith.constant 0 : i32
      %get3A_147 = arith.constant 0 : i32
      %get3A_148 = arith.index_cast %get3A_146 : i32 to index
      %get3A_149 = arith.index_cast %get3A_147 : i32 to index
      %get3A_150 = arith.constant 32 : index
      %get3A_151 = tpu.vector_load %arg8[%get3A_148, %get3A_149, %get3A_150] {strides = array<i32>} : memref<3x8x512xf32, #tpu.memory_space<vmem>>, vector<16xf32>,
      %swap3A_152 = arith.constant 0 : i32
      %swap3A_153 = arith.constant 3 : i32
      %swap3A_154 = arith.index_cast %swap3A_152 : i32 to index
      %swap3A_155 = arith.index_cast %swap3A_153 : i32 to index
      %swap3A_156 = arith.constant 32 : index
      %swap3A_157 = tpu.vector_load %arg9[%swap3A_154, %swap3A_155, %swap3A_156] {strides = array<i32>} : memref<4x4x512xf32, #tpu.memory_space<vmem>>, vector<16xf32>,
      tpu.vector_store %arg9[%swap3A_154, %swap3A_155, %swap3A_156], %get3A_151 {strides = array<i32>} : memref<4x4x512xf32, #tpu.memory_space<vmem>>, vector<16xf32>,
      %get3A_158 = arith.constant 0 : i32
      %get3A_159 = arith.constant 0 : i32
      %get3A_160 = arith.index_cast %get3A_158 : i32 to index
      %get3A_161 = arith.index_cast %get3A_159 : i32 to index
      %get3A_162 = arith.constant 48 : index
      %get3A_163 = tpu.vector_load %arg8[%get3A_160, %get3A_161, %get3A_162] {strides = array<i32>} : memref<3x8x512xf32, #tpu.memory_space<vmem>>, vector<16xf32>,
      %swap3A_164 = arith.constant 0 : i32
      %swap3A_165 = arith.constant 3 : i32
      %swap3A_166 = arith.index_cast %swap3A_164 : i32 to index
      %swap3A_167 = arith.index_cast %swap3A_165 : i32 to index
      %swap3A_168 = arith.constant 48 : index
      %swap3A_169 = tpu.vector_load %arg9[%swap3A_166, %swap3A_167, %swap3A_168] {strides = array<i32>} : memref<4x4x512xf32, #tpu.memory_space<vmem>>, vector<16xf32>,
      tpu.vector_store %arg9[%swap3A_166, %swap3A_167, %swap3A_168], %get3A_163 {strides = array<i32>} : memref<4x4x512xf32, #tpu.memory_space<vmem>>, vector<16xf32>,
      %get3A_170 = arith.constant 0 : i32
      %get3A_171 = arith.constant 0 : i32
      %get3A_172 = arith.index_cast %get3A_170 : i32 to index
      %get3A_173 = arith.index_cast %get3A_171 : i32 to index
      %get3A_174 = arith.constant 64 : index
      %get3A_175 = tpu.vector_load %arg8[%get3A_172, %get3A_173, %get3A_174] {strides = array<i32>} : memref<3x8x512xf32, #tpu.memory_space<vmem>>, vector<16xf32>,
      %swap3A_176 = arith.constant 0 : i32
      %swap3A_177 = arith.constant 3 : i32
      %swap3A_178 = arith.index_cast %swap3A_176 : i32 to index
      %swap3A_179 = arith.index_cast %swap3A_177 : i32 to index
      %swap3A_180 = arith.constant 64 : index
      %swap3A_181 = tpu.vector_load %arg9[%swap3A_178, %swap3A_179, %swap3A_180] {strides = array<i32>} : memref<4x4x512xf32, #tpu.memory_space<vmem>>, vector<16xf32>,
      tpu.vector_store %arg9[%swap3A_178, %swap3A_179, %swap3A_180], %get3A_175 {strides = array<i32>} : memref<4x4x512xf32, #tpu.memory_space<vmem>>, vector<16xf32>,
      %get3A_182 = arith.constant 0 : i32
      %get3A_183 = arith.constant 0 : i32
      %get3A_184 = arith.index_cast %get3A_182 : i32 to index
      %get3A_185 = arith.index_cast %get3A_183 : i32 to index
      %get3A_186 = arith.constant 80 : index
      %get3A_187 = tpu.vector_load %arg8[%get3A_184, %get3A_185, %get3A_186] {strides = array<i32>} : memref<3x8x512xf32, #tpu.memory_space<vmem>>, vector<16xf32>,
      %swap3A_188 = arith.constant 0 : i32
      %swap3A_189 = arith.constant 3 : i32
      %swap3A_190 = arith.index_cast %swap3A_188 : i32 to index
      %swap3A_191 = arith.index_cast %swap3A_189 : i32 to index
      %swap3A_192 = arith.constant 80 : index
      %swap3A_193 = tpu.vector_load %arg9[%swap3A_190, %swap3A_191, %swap3A_192] {strides = array<i32>} : memref<4x4x512xf32, #tpu.memory_space<vmem>>, vector<16xf32>,
      tpu.vector_store %arg9[%swap3A_190, %swap3A_191, %swap3A_192], %get3A_187 {strides = array<i32>} : memref<4x4x512xf32, #tpu.memory_space<vmem>>, vector<16xf32>,
      %get3A_194 = arith.constant 0 : i32
      %get3A_195 = arith.constant 0 : i32
      %get3A_196 = arith.index_cast %get3A_194 : i32 to index
      %get3A_197 = arith.index_cast %get3A_195 : i32 to index
      %get3A_198 = arith.constant 96 : index
      %get3A_199 = tpu.vector_load %arg8[%get3A_196, %get3A_197, %get3A_198] {strides = array<i32>} : memref<3x8x512xf32, #tpu.memory_space<vmem>>, vector<16xf32>,
      %swap3A_200 = arith.constant 0 : i32
      %swap3A_201 = arith.constant 3 : i32
      %swap3A_202 = arith.index_cast %swap3A_200 : i32 to index
      %swap3A_203 = arith.index_cast %swap3A_201 : i32 to index
      %swap3A_204 = arith.constant 96 : index
      %swap3A_205 = tpu.vector_load %arg9[%swap3A_202, %swap3A_203, %swap3A_204] {strides = array<i32>} : memref<4x4x512xf32, #tpu.memory_space<vmem>>, vector<16xf32>,
      tpu.vector_store %arg9[%swap3A_202, %swap3A_203, %swap3A_204], %get3A_199 {strides = array<i32>} : memref<4x4x512xf32, #tpu.memory_space<vmem>>, vector<16xf32>,
      %get3A_206 = arith.constant 0 : i32
      %get3A_207 = arith.constant 0 : i32
      %get3A_208 = arith.index_cast %get3A_206 : i32 to index
      %get3A_209 = arith.index_cast %get3A_207 : i32 to index
      %get3A_210 = arith.constant 112 : index
      %get3A_211 = tpu.vector_load %arg8[%get3A_208, %get3A_209, %get3A_210] {strides = array<i32>} : memref<3x8x512xf32, #tpu.memory_space<vmem>>, vector<16xf32>,
      %swap3A_212 = arith.constant 0 : i32
      %swap3A_213 = arith.constant 3 : i32
      %swap3A_214 = arith.index_cast %swap3A_212 : i32 to index
      %swap3A_215 = arith.index_cast %swap3A_213 : i32 to index
      %swap3A_216 = arith.constant 112 : index
      %swap3A_217 = tpu.vector_load %arg9[%swap3A_214, %swap3A_215, %swap3A_216] {strides = array<i32>} : memref<4x4x512xf32, #tpu.memory_space<vmem>>, vector<16xf32>,
      tpu.vector_store %arg9[%swap3A_214, %swap3A_215, %swap3A_216], %get3A_211 {strides = array<i32>} : memref<4x4x512xf32, #tpu.memory_space<vmem>>, vector<16xf32>,
      %get3A_218 = arith.constant 0 : i32
      %get3A_219 = arith.constant 0 : i32
      %get3A_220 = arith.index_cast %get3A_218 : i32 to index
      %get3A_221 = arith.index_cast %get3A_219 : i32 to index
      %get3A_222 = arith.constant 128 : index
      %get3A_223 = tpu.vector_load %arg8[%get3A_220, %get3A_221, %get3A_222] {strides = array<i32>} : memref<3x8x512xf32, #tpu.memory_space<vmem>>, vector<16xf32>,
      %swap3A_224 = arith.constant 0 : i32
      %swap3A_225 = arith.constant 3 : i32
      %swap3A_226 = arith.index_cast %swap3A_224 : i32 to index
      %swap3A_227 = arith.index_cast %swap3A_225 : i32 to index
      %swap3A_228 = arith.constant 128 : index
      %swap3A_229 = tpu.vector_load %arg9[%swap3A_226, %swap3A_227, %swap3A_228] {strides = array<i32>} : memref<4x4x512xf32, #tpu.memory_space<vmem>>, vector<16xf32>,
      tpu.vector_store %arg9[%swap3A_226, %swap3A_227, %swap3A_228], %get3A_223 {strides = array<i32>} : memref<4x4x512xf32, #tpu.memory_space<vmem>>, vector<16xf32>,
      %get3A_230 = arith.constant 0 : i32
      %get3A_231 = arith.constant 0 : i32
      %get3A_232 = arith.index_cast %get3A_230 : i32 to index
      %get3A_233 = arith.index_cast %get3A_231 : i32 to index
      %get3A_234 = arith.constant 144 : index
      %get3A_235 = tpu.vector_load %arg8[%get3A_232, %get3A_233, %get3A_234] {strides = array<i32>} : memref<3x8x512xf32, #tpu.memory_space<vmem>>, vector<16xf32>,
      %swap3A_236 = arith.constant 0 : i32
      %swap3A_237 = arith.constant 3 : i32
      %swap3A_238 = arith.index_cast %swap3A_236 : i32 to index
      %swap3A_239 = arith.index_cast %swap3A_237 : i32 to index
      %swap3A_240 = arith.constant 144 : index
      %swap3A_241 = tpu.vector_load %arg9[%swap3A_238, %swap3A_239, %swap3A_240] {strides = array<i32>} : memref<4x4x512xf32, #tpu.memory_space<vmem>>, vector<16xf32>,
      tpu.vector_store %arg9[%swap3A_238, %swap3A_239, %swap3A_240], %get3A_235 {strides = array<i32>} : memref<4x4x512xf32, #tpu.memory_space<vmem>>, vector<16xf32>,
      %get3A_242 = arith.constant 0 : i32
      %get3A_243 = arith.constant 0 : i32
      %get3A_244 = arith.index_cast %get3A_242 : i32 to index
      %get3A_245 = arith.index_cast %get3A_243 : i32 to index
      %get3A_246 = arith.constant 160 : index
      %get3A_247 = tpu.vector_load %arg8[%get3A_244, %get3A_245, %get3A_246] {strides = array<i32>} : memref<3x8x512xf32, #tpu.memory_space<vmem>>, vector<16xf32>,
      %swap3A_248 = arith.constant 0 : i32
      %swap3A_249 = arith.constant 3 : i32
      %swap3A_250 = arith.index_cast %swap3A_248 : i32 to index
      %swap3A_251 = arith.index_cast %swap3A_249 : i32 to index
      %swap3A_252 = arith.constant 160 : index
      %swap3A_253 = tpu.vector_load %arg9[%swap3A_250, %swap3A_251, %swap3A_252] {strides = array<i32>} : memref<4x4x512xf32, #tpu.memory_space<vmem>>, vector<16xf32>,
      tpu.vector_store %arg9[%swap3A_250, %swap3A_251, %swap3A_252], %get3A_247 {strides = array<i32>} : memref<4x4x512xf32, #tpu.memory_space<vmem>>, vector<16xf32>,
      %get3A_254 = arith.constant 0 : i32
      %get3A_255 = arith.constant 0 : i32
      %get3A_256 = arith.index_cast %get3A_254 : i32 to index
      %get3A_257 = arith.index_cast %get3A_255 : i32 to index
      %get3A_258 = arith.constant 176 : index
      %get3A_259 = tpu.vector_load %arg8[%get3A_256, %get3A_257, %get3A_258] {strides = array<i32>} : memref<3x8x512xf32, #tpu.memory_space<vmem>>, vector<16xf32>,
      %swap3A_260 = arith.constant 0 : i32
      %swap3A_261 = arith.constant 3 : i32
      %swap3A_262 = arith.index_cast %swap3A_260 : i32 to index
      %swap3A_263 = arith.index_cast %swap3A_261 : i32 to index
      %swap3A_264 = arith.constant 176 : index
      %swap3A_265 = tpu.vector_load %arg9[%swap3A_262, %swap3A_263, %swap3A_264] {strides = array<i32>} : memref<4x4x512xf32, #tpu.memory_space<vmem>>, vector<16xf32>,
      tpu.vector_store %arg9[%swap3A_262, %swap3A_263, %swap3A_264], %get3A_259 {strides = array<i32>} : memref<4x4x512xf32, #tpu.memory_space<vmem>>, vector<16xf32>,
      %get3A_266 = arith.constant 0 : i32
      %get3A_267 = arith.constant 0 : i32
      %get3A_268 = arith.index_cast %get3A_266 : i32 to index
      %get3A_269 = arith.index_cast %get3A_267 : i32 to index
      %get3A_270 = arith.constant 192 : index
      %get3A_271 = tpu.vector_load %arg8[%get3A_268, %get3A_269, %get3A_270] {strides = array<i32>} : memref<3x8x512xf32, #tpu.memory_space<vmem>>, vector<16xf32>,
      %swap3A_272 = arith.constant 0 : i32
      %swap3A_273 = arith.constant 3 : i32
      %swap3A_274 = arith.index_cast %swap3A_272 : i32 to index
      %swap3A_275 = arith.index_cast %swap3A_273 : i32 to index
      %swap3A_276 = arith.constant 192 : index
      %swap3A_277 = tpu.vector_load %arg9[%swap3A_274, %swap3A_275, %swap3A_276] {strides = array<i32>} : memref<4x4x512xf32, #tpu.memory_space<vmem>>, vector<16xf32>,
      tpu.vector_store %arg9[%swap3A_274, %swap3A_275, %swap3A_276], %get3A_271 {strides = array<i32>} : memref<4x4x512xf32, #tpu.memory_space<vmem>>, vector<16xf32>,
      %get3A_278 = arith.constant 0 : i32
      %get3A_279 = arith.constant 0 : i32
      %get3A_280 = arith.index_cast %get3A_278 : i32 to index
      %get3A_281 = arith.index_cast %get3A_279 : i32 to index
      %get3A_282 = arith.constant 208 : index
      %get3A_283 = tpu.vector_load %arg8[%get3A_280, %get3A_281, %get3A_282] {strides = array<i32>} : memref<3x8x512xf32, #tpu.memory_space<vmem>>, vector<16xf32>,
      %swap3A_284 = arith.constant 0 : i32
      %swap3A_285 = arith.constant 3 : i32
      %swap3A_286 = arith.index_cast %swap3A_284 : i32 to index
      %swap3A_287 = arith.index_cast %swap3A_285 : i32 to index
      %swap3A_288 = arith.constant 208 : index
      %swap3A_289 = tpu.vector_load %arg9[%swap3A_286, %swap3A_287, %swap3A_288] {strides = array<i32>} : memref<4x4x512xf32, #tpu.memory_space<vmem>>, vector<16xf32>,
      tpu.vector_store %arg9[%swap3A_286, %swap3A_287, %swap3A_288], %get3A_283 {strides = array<i32>} : memref<4x4x512xf32, #tpu.memory_space<vmem>>, vector<16xf32>,
      %get3A_290 = arith.constant 0 : i32
      %get3A_291 = arith.constant 0 : i32
      %get3A_292 = arith.index_cast %get3A_290 : i32 to index
      %get3A_293 = arith.index_cast %get3A_291 : i32 to index
      %get3A_294 = arith.constant 224 : index
      %get3A_295 = tpu.vector_load %arg8[%get3A_292, %get3A_293, %get3A_294] {strides = array<i32>} : memref<3x8x512xf32, #tpu.memory_space<vmem>>, vector<16xf32>,
      %swap3A_296 = arith.constant 0 : i32
      %swap3A_297 = arith.constant 3 : i32
      %swap3A_298 = arith.index_cast %swap3A_296 : i32 to index
      %swap3A_299 = arith.index_cast %swap3A_297 : i32 to index
      %swap3A_300 = arith.constant 224 : index
      %swap3A_301 = tpu.vector_load %arg9[%swap3A_298, %swap3A_299, %swap3A_300] {strides = array<i32>} : memref<4x4x512xf32, #tpu.memory_space<vmem>>, vector<16xf32>,
      tpu.vector_store %arg9[%swap3A_298, %swap3A_299, %swap3A_300], %get3A_295 {strides = array<i32>} : memref<4x4x512xf32, #tpu.memory_space<vmem>>, vector<16xf32>,
      %get3A_302 = arith.constant 0 : i32
      %get3A_303 = arith.constant 0 : i32
      %get3A_304 = arith.index_cast %get3A_302 : i32 to index
      %get3A_305 = arith.index_cast %get3A_303 : i32 to index
      %get3A_306 = arith.constant 240 : index
      %get3A_307 = tpu.vector_load %arg8[%get3A_304, %get3A_305, %get3A_306] {strides = array<i32>} : memref<3x8x512xf32, #tpu.memory_space<vmem>>, vector<16xf32>,
      %swap3A_308 = arith.constant 0 : i32
      %swap3A_309 = arith.constant 3 : i32
      %swap3A_310 = arith.index_cast %swap3A_308 : i32 to index
      %swap3A_311 = arith.index_cast %swap3A_309 : i32 to index
      %swap3A_312 = arith.constant 240 : index
      %swap3A_313 = tpu.vector_load %arg9[%swap3A_310, %swap3A_311, %swap3A_312] {strides = array<i32>} : memref<4x4x512xf32, #tpu.memory_space<vmem>>, vector<16xf32>,
      tpu.vector_store %arg9[%swap3A_310, %swap3A_311, %swap3A_312], %get3A_307 {strides = array<i32>} : memref<4x4x512xf32, #tpu.memory_space<vmem>>, vector<16xf32>,
      %get3A_314 = arith.constant 0 : i32
      %get3A_315 = arith.constant 0 : i32
      %get3A_316 = arith.index_cast %get3A_314 : i32 to index
      %get3A_317 = arith.index_cast %get3A_315 : i32 to index
      %get3A_318 = arith.constant 256 : index
      %get3A_319 = tpu.vector_load %arg8[%get3A_316, %get3A_317, %get3A_318] {strides = array<i32>} : memref<3x8x512xf32, #tpu.memory_space<vmem>>, vector<16xf32>,
      %swap3A_320 = arith.constant 0 : i32
      %swap3A_321 = arith.constant 3 : i32
      %swap3A_322 = arith.index_cast %swap3A_320 : i32 to index
      %swap3A_323 = arith.index_cast %swap3A_321 : i32 to index
      %swap3A_324 = arith.constant 256 : index
      %swap3A_325 = tpu.vector_load %arg9[%swap3A_322, %swap3A_323, %swap3A_324] {strides = array<i32>} : memref<4x4x512xf32, #tpu.memory_space<vmem>>, vector<16xf32>,
      tpu.vector_store %arg9[%swap3A_322, %swap3A_323, %swap3A_324], %get3A_319 {strides = array<i32>} : memref<4x4x512xf32, #tpu.memory_space<vmem>>, vector<16xf32>,
      %get3A_326 = arith.constant 0 : i32
      %get3A_327 = arith.constant 0 : i32
      %get3A_328 = arith.index_cast %get3A_326 : i32 to index
      %get3A_329 = arith.index_cast %get3A_327 : i32 to index
      %get3A_330 = arith.constant 272 : index
      %get3A_331 = tpu.vector_load %arg8[%get3A_328, %get3A_329, %get3A_330] {strides = array<i32>} : memref<3x8x512xf32, #tpu.memory_space<vmem>>, vector<16xf32>,
      %swap3A_332 = arith.constant 0 : i32
      %swap3A_333 = arith.constant 3 : i32
      %swap3A_334 = arith.index_cast %swap3A_332 : i32 to index
      %swap3A_335 = arith.index_cast %swap3A_333 : i32 to index
      %swap3A_336 = arith.constant 272 : index
      %swap3A_337 = tpu.vector_load %arg9[%swap3A_334, %swap3A_335, %swap3A_336] {strides = array<i32>} : memref<4x4x512xf32, #tpu.memory_space<vmem>>, vector<16xf32>,
      tpu.vector_store %arg9[%swap3A_334, %swap3A_335, %swap3A_336], %get3A_331 {strides = array<i32>} : memref<4x4x512xf32, #tpu.memory_space<vmem>>, vector<16xf32>,
      %get3A_338 = arith.constant 0 : i32
      %get3A_339 = arith.constant 0 : i32
      %get3A_340 = arith.index_cast %get3A_338 : i32 to index
      %get3A_341 = arith.index_cast %get3A_339 : i32 to index
      %get3A_342 = arith.constant 288 : index
      %get3A_343 = tpu.vector_load %arg8[%get3A_340, %get3A_341, %get3A_342] {strides = array<i32>} : memref<3x8x512xf32, #tpu.memory_space<vmem>>, vector<16xf32>,
      %swap3A_344 = arith.constant 0 : i32
      %swap3A_345 = arith.constant 3 : i32
      %swap3A_346 = arith.index_cast %swap3A_344 : i32 to index
      %swap3A_347 = arith.index_cast %swap3A_345 : i32 to index
      %swap3A_348 = arith.constant 288 : index
      %swap3A_349 = tpu.vector_load %arg9[%swap3A_346, %swap3A_347, %swap3A_348] {strides = array<i32>} : memref<4x4x512xf32, #tpu.memory_space<vmem>>, vector<16xf32>,
      tpu.vector_store %arg9[%swap3A_346, %swap3A_347, %swap3A_348], %get3A_343 {strides = array<i32>} : memref<4x4x512xf32, #tpu.memory_space<vmem>>, vector<16xf32>,
      %get3A_350 = arith.constant 0 : i32
      %get3A_351 = arith.constant 0 : i32
      %get3A_352 = arith.index_cast %get3A_350 : i32 to index
      %get3A_353 = arith.index_cast %get3A_351 : i32 to index
      %get3A_354 = arith.constant 304 : index
      %get3A_355 = tpu.vector_load %arg8[%get3A_352, %get3A_353, %get3A_354] {strides = array<i32>} : memref<3x8x512xf32, #tpu.memory_space<vmem>>, vector<16xf32>,
      %swap3A_356 = arith.constant 0 : i32
      %swap3A_357 = arith.constant 3 : i32
      %swap3A_358 = arith.index_cast %swap3A_356 : i32 to index
      %swap3A_359 = arith.index_cast %swap3A_357 : i32 to index
      %swap3A_360 = arith.constant 304 : index
      %swap3A_361 = tpu.vector_load %arg9[%swap3A_358, %swap3A_359, %swap3A_360] {strides = array<i32>} : memref<4x4x512xf32, #tpu.memory_space<vmem>>, vector<16xf32>,
      tpu.vector_store %arg9[%swap3A_358, %swap3A_359, %swap3A_360], %get3A_355 {strides = array<i32>} : memref<4x4x512xf32, #tpu.memory_space<vmem>>, vector<16xf32>,
      %get3A_362 = arith.constant 0 : i32
      %get3A_363 = arith.constant 0 : i32
      %get3A_364 = arith.index_cast %get3A_362 : i32 to index
      %get3A_365 = arith.index_cast %get3A_363 : i32 to index
      %get3A_366 = arith.constant 320 : index
      %get3A_367 = tpu.vector_load %arg8[%get3A_364, %get3A_365, %get3A_366] {strides = array<i32>} : memref<3x8x512xf32, #tpu.memory_space<vmem>>, vector<16xf32>,
      %swap3A_368 = arith.constant 0 : i32
      %swap3A_369 = arith.constant 3 : i32
      %swap3A_370 = arith.index_cast %swap3A_368 : i32 to index
      %swap3A_371 = arith.index_cast %swap3A_369 : i32 to index
      %swap3A_372 = arith.constant 320 : index
      %swap3A_373 = tpu.vector_load %arg9[%swap3A_370, %swap3A_371, %swap3A_372] {strides = array<i32>} : memref<4x4x512xf32, #tpu.memory_space<vmem>>, vector<16xf32>,
      tpu.vector_store %arg9[%swap3A_370, %swap3A_371, %swap3A_372], %get3A_367 {strides = array<i32>} : memref<4x4x512xf32, #tpu.memory_space<vmem>>, vector<16xf32>,
      %get3A_374 = arith.constant 0 : i32
      %get3A_375 = arith.constant 0 : i32
      %get3A_376 = arith.index_cast %get3A_374 : i32 to index
      %get3A_377 = arith.index_cast %get3A_375 : i32 to index
      %get3A_378 = arith.constant 336 : index
      %get3A_379 = tpu.vector_load %arg8[%get3A_376, %get3A_377, %get3A_378] {strides = array<i32>} : memref<3x8x512xf32, #tpu.memory_space<vmem>>, vector<16xf32>,
      %swap3A_380 = arith.constant 0 : i32
      %swap3A_381 = arith.constant 3 : i32
      %swap3A_382 = arith.index_cast %swap3A_380 : i32 to index
      %swap3A_383 = arith.index_cast %swap3A_381 : i32 to index
      %swap3A_384 = arith.constant 336 : index
      %swap3A_385 = tpu.vector_load %arg9[%swap3A_382, %swap3A_383, %swap3A_384] {strides = array<i32>} : memref<4x4x512xf32, #tpu.memory_space<vmem>>, vector<16xf32>,
      tpu.vector_store %arg9[%swap3A_382, %swap3A_383, %swap3A_384], %get3A_379 {strides = array<i32>} : memref<4x4x512xf32, #tpu.memory_space<vmem>>, vector<16xf32>,
      %get3A_386 = arith.constant 0 : i32
      %get3A_387 = arith.constant 0 : i32
      %get3A_388 = arith.index_cast %get3A_386 : i32 to index
      %get3A_389 = arith.index_cast %get3A_387 : i32 to index
      %get3A_390 = arith.constant 352 : index
      %get3A_391 = tpu.vector_load %arg8[%get3A_388, %get3A_389, %get3A_390] {strides = array<i32>} : memref<3x8x512xf32, #tpu.memory_space<vmem>>, vector<16xf32>,
      %swap3A_392 = arith.constant 0 : i32
      %swap3A_393 = arith.constant 3 : i32
      %swap3A_394 = arith.index_cast %swap3A_392 : i32 to index
      %swap3A_395 = arith.index_cast %swap3A_393 : i32 to index
      %swap3A_396 = arith.constant 352 : index
      %swap3A_397 = tpu.vector_load %arg9[%swap3A_394, %swap3A_395, %swap3A_396] {strides = array<i32>} : memref<4x4x512xf32, #tpu.memory_space<vmem>>, vector<16xf32>,
      tpu.vector_store %arg9[%swap3A_394, %swap3A_395, %swap3A_396], %get3A_391 {strides = array<i32>} : memref<4x4x512xf32, #tpu.memory_space<vmem>>, vector<16xf32>,
      %get3A_398 = arith.constant 0 : i32
      %get3A_399 = arith.constant 0 : i32
      %get3A_400 = arith.index_cast %get3A_398 : i32 to index
      %get3A_401 = arith.index_cast %get3A_399 : i32 to index
      %get3A_402 = arith.constant 368 : index
      %get3A_403 = tpu.vector_load %arg8[%get3A_400, %get3A_401, %get3A_402] {strides = array<i32>} : memref<3x8x512xf32, #tpu.memory_space<vmem>>, vector<16xf32>,
      %swap3A_404 = arith.constant 0 : i32
      %swap3A_405 = arith.constant 3 : i32
      %swap3A_406 = arith.index_cast %swap3A_404 : i32 to index
      %swap3A_407 = arith.index_cast %swap3A_405 : i32 to index
      %swap3A_408 = arith.constant 368 : index
      %swap3A_409 = tpu.vector_load %arg9[%swap3A_406, %swap3A_407, %swap3A_408] {strides = array<i32>} : memref<4x4x512xf32, #tpu.memory_space<vmem>>, vector<16xf32>,
      tpu.vector_store %arg9[%swap3A_406, %swap3A_407, %swap3A_408], %get3A_403 {strides = array<i32>} : memref<4x4x512xf32, #tpu.memory_space<vmem>>, vector<16xf32>,
      %get3A_410 = arith.constant 0 : i32
      %get3A_411 = arith.constant 0 : i32
      %get3A_412 = arith.index_cast %get3A_410 : i32 to index
      %get3A_413 = arith.index_cast %get3A_411 : i32 to index
      %get3A_414 = arith.constant 384 : index
      %get3A_415 = tpu.vector_load %arg8[%get3A_412, %get3A_413, %get3A_414] {strides = array<i32>} : memref<3x8x512xf32, #tpu.memory_space<vmem>>, vector<16xf32>,
      %swap3A_416 = arith.constant 0 : i32
      %swap3A_417 = arith.constant 3 : i32
      %swap3A_418 = arith.index_cast %swap3A_416 : i32 to index
      %swap3A_419 = arith.index_cast %swap3A_417 : i32 to index
      %swap3A_420 = arith.constant 384 : index
      %swap3A_421 = tpu.vector_load %arg9[%swap3A_418, %swap3A_419, %swap3A_420] {strides = array<i32>} : memref<4x4x512xf32, #tpu.memory_space<vmem>>, vector<16xf32>,
      tpu.vector_store %arg9[%swap3A_418, %swap3A_419, %swap3A_420], %get3A_415 {strides = array<i32>} : memref<4x4x512xf32, #tpu.memory_space<vmem>>, vector<16xf32>,
      %get3A_422 = arith.constant 0 : i32
      %get3A_423 = arith.constant 0 : i32
      %get3A_424 = arith.index_cast %get3A_422 : i32 to index
      %get3A_425 = arith.index_cast %get3A_423 : i32 to index
      %get3A_426 = arith.constant 400 : index
      %get3A_427 = tpu.vector_load %arg8[%get3A_424, %get3A_425, %get3A_426] {strides = array<i32>} : memref<3x8x512xf32, #tpu.memory_space<vmem>>, vector<16xf32>,
      %swap3A_428 = arith.constant 0 : i32
      %swap3A_429 = arith.constant 3 : i32
      %swap3A_430 = arith.index_cast %swap3A_428 : i32 to index
      %swap3A_431 = arith.index_cast %swap3A_429 : i32 to index
      %swap3A_432 = arith.constant 400 : index
      %swap3A_433 = tpu.vector_load %arg9[%swap3A_430, %swap3A_431, %swap3A_432] {strides = array<i32>} : memref<4x4x512xf32, #tpu.memory_space<vmem>>, vector<16xf32>,
      tpu.vector_store %arg9[%swap3A_430, %swap3A_431, %swap3A_432], %get3A_427 {strides = array<i32>} : memref<4x4x512xf32, #tpu.memory_space<vmem>>, vector<16xf32>,
      %get3A_434 = arith.constant 0 : i32
      %get3A_435 = arith.constant 0 : i32
      %get3A_436 = arith.index_cast %get3A_434 : i32 to index
      %get3A_437 = arith.index_cast %get3A_435 : i32 to index
      %get3A_438 = arith.constant 416 : index
      %get3A_439 = tpu.vector_load %arg8[%get3A_436, %get3A_437, %get3A_438] {strides = array<i32>} : memref<3x8x512xf32, #tpu.memory_space<vmem>>, vector<16xf32>,
      %swap3A_440 = arith.constant 0 : i32
      %swap3A_441 = arith.constant 3 : i32
      %swap3A_442 = arith.index_cast %swap3A_440 : i32 to index
      %swap3A_443 = arith.index_cast %swap3A_441 : i32 to index
      %swap3A_444 = arith.constant 416 : index
      %swap3A_445 = tpu.vector_load %arg9[%swap3A_442, %swap3A_443, %swap3A_444] {strides = array<i32>} : memref<4x4x512xf32, #tpu.memory_space<vmem>>, vector<16xf32>,
      tpu.vector_store %arg9[%swap3A_442, %swap3A_443, %swap3A_444], %get3A_439 {strides = array<i32>} : memref<4x4x512xf32, #tpu.memory_space<vmem>>, vector<16xf32>,
      %get3A_446 = arith.constant 0 : i32
      %get3A_447 = arith.constant 0 : i32
      %get3A_448 = arith.index_cast %get3A_446 : i32 to index
      %get3A_449 = arith.index_cast %get3A_447 : i32 to index
      %get3A_450 = arith.constant 432 : index
      %get3A_451 = tpu.vector_load %arg8[%get3A_448, %get3A_449, %get3A_450] {strides = array<i32>} : memref<3x8x512xf32, #tpu.memory_space<vmem>>, vector<16xf32>,
      %swap3A_452 = arith.constant 0 : i32
      %swap3A_453 = arith.constant 3 : i32
      %swap3A_454 = arith.index_cast %swap3A_452 : i32 to index
      %swap3A_455 = arith.index_cast %swap3A_453 : i32 to index
      %swap3A_456 = arith.constant 432 : index
      %swap3A_457 = tpu.vector_load %arg9[%swap3A_454, %swap3A_455, %swap3A_456] {strides = array<i32>} : memref<4x4x512xf32, #tpu.memory_space<vmem>>, vector<16xf32>,
      tpu.vector_store %arg9[%swap3A_454, %swap3A_455, %swap3A_456], %get3A_451 {strides = array<i32>} : memref<4x4x512xf32, #tpu.memory_space<vmem>>, vector<16xf32>,
      %get3A_458 = arith.constant 0 : i32
      %get3A_459 = arith.constant 0 : i32
      %get3A_460 = arith.index_cast %get3A_458 : i32 to index
      %get3A_461 = arith.index_cast %get3A_459 : i32 to index
      %get3A_462 = arith.constant 448 : index
      %get3A_463 = tpu.vector_load %arg8[%get3A_460, %get3A_461, %get3A_462] {strides = array<i32>} : memref<3x8x512xf32, #tpu.memory_space<vmem>>, vector<16xf32>,
      %swap3A_464 = arith.constant 0 : i32
      %swap3A_465 = arith.constant 3 : i32
      %swap3A_466 = arith.index_cast %swap3A_464 : i32 to index
      %swap3A_467 = arith.index_cast %swap3A_465 : i32 to index
      %swap3A_468 = arith.constant 448 : index
      %swap3A_469 = tpu.vector_load %arg9[%swap3A_466, %swap3A_467, %swap3A_468] {strides = array<i32>} : memref<4x4x512xf32, #tpu.memory_space<vmem>>, vector<16xf32>,
      tpu.vector_store %arg9[%swap3A_466, %swap3A_467, %swap3A_468], %get3A_463 {strides = array<i32>} : memref<4x4x512xf32, #tpu.memory_space<vmem>>, vector<16xf32>,
      %get3A_470 = arith.constant 0 : i32
      %get3A_471 = arith.constant 0 : i32
      %get3A_472 = arith.index_cast %get3A_470 : i32 to index
      %get3A_473 = arith.index_cast %get3A_471 : i32 to index
      %get3A_474 = arith.constant 464 : index
      %get3A_475 = tpu.vector_load %arg8[%get3A_472, %get3A_473, %get3A_474] {strides = array<i32>} : memref<3x8x512xf32, #tpu.memory_space<vmem>>, vector<16xf32>,
      %swap3A_476 = arith.constant 0 : i32
      %swap3A_477 = arith.constant 3 : i32
      %swap3A_478 = arith.index_cast %swap3A_476 : i32 to index
      %swap3A_479 = arith.index_cast %swap3A_477 : i32 to index
      %swap3A_480 = arith.constant 464 : index
      %swap3A_481 = tpu.vector_load %arg9[%swap3A_478, %swap3A_479, %swap3A_480] {strides = array<i32>} : memref<4x4x512xf32, #tpu.memory_space<vmem>>, vector<16xf32>,
      tpu.vector_store %arg9[%swap3A_478, %swap3A_479, %swap3A_480], %get3A_475 {strides = array<i32>} : memref<4x4x512xf32, #tpu.memory_space<vmem>>, vector<16xf32>,
      %get3A_482 = arith.constant 0 : i32
      %get3A_483 = arith.constant 0 : i32
      %get3A_484 = arith.index_cast %get3A_482 : i32 to index
      %get3A_485 = arith.index_cast %get3A_483 : i32 to index
      %get3A_486 = arith.constant 480 : index
      %get3A_487 = tpu.vector_load %arg8[%get3A_484, %get3A_485, %get3A_486] {strides = array<i32>} : memref<3x8x512xf32, #tpu.memory_space<vmem>>, vector<16xf32>,
      %swap3A_488 = arith.constant 0 : i32
      %swap3A_489 = arith.constant 3 : i32
      %swap3A_490 = arith.index_cast %swap3A_488 : i32 to index
      %swap3A_491 = arith.index_cast %swap3A_489 : i32 to index
      %swap3A_492 = arith.constant 480 : index
      %swap3A_493 = tpu.vector_load %arg9[%swap3A_490, %swap3A_491, %swap3A_492] {strides = array<i32>} : memref<4x4x512xf32, #tpu.memory_space<vmem>>, vector<16xf32>,
      tpu.vector_store %arg9[%swap3A_490, %swap3A_491, %swap3A_492], %get3A_487 {strides = array<i32>} : memref<4x4x512xf32, #tpu.memory_space<vmem>>, vector<16xf32>,
      %get3A_494 = arith.constant 0 : i32
      %get3A_495 = arith.constant 0 : i32
      %get3A_496 = arith.index_cast %get3A_494 : i32 to index
      %get3A_497 = arith.index_cast %get3A_495 : i32 to index
      %get3A_498 = arith.constant 496 : index
      %get3A_499 = tpu.vector_load %arg8[%get3A_496, %get3A_497, %get3A_498] {strides = array<i32>} : memref<3x8x512xf32, #tpu.memory_space<vmem>>, vector<16xf32>,
      %swap3A_500 = arith.constant 0 : i32
      %swap3A_501 = arith.constant 3 : i32
      %swap3A_502 = arith.index_cast %swap3A_500 : i32 to index
      %swap3A_503 = arith.index_cast %swap3A_501 : i32 to index
      %swap3A_504 = arith.constant 496 : index
      %swap3A_505 = tpu.vector_load %arg9[%swap3A_502, %swap3A_503, %swap3A_504] {strides = array<i32>} : memref<4x4x512xf32, #tpu.memory_space<vmem>>, vector<16xf32>,
      tpu.vector_store %arg9[%swap3A_502, %swap3A_503, %swap3A_504], %get3A_499 {strides = array<i32>} : memref<4x4x512xf32, #tpu.memory_space<vmem>>, vector<16xf32>,
      %get3A_506 = arith.constant 1 : i32
      %get3A_507 = arith.constant 0 : i32
      %get3A_508 = arith.index_cast %get3A_506 : i32 to index
      %get3A_509 = arith.index_cast %get3A_507 : i32 to index
      %get3A_510 = arith.constant 0 : index
      %get3A_511 = tpu.vector_load %arg8[%get3A_508, %get3A_509, %get3A_510] {strides = array<i32>} : memref<3x8x512xf32, #tpu.memory_space<vmem>>, vector<16xf32>,
      %swap3A_512 = arith.constant 1 : i32
      %swap3A_513 = arith.constant 3 : i32
      %swap3A_514 = arith.index_cast %swap3A_512 : i32 to index
      %swap3A_515 = arith.index_cast %swap3A_513 : i32 to index
      %swap3A_516 = arith.constant 0 : index
      %swap3A_517 = tpu.vector_load %arg9[%swap3A_514, %swap3A_515, %swap3A_516] {strides = array<i32>} : memref<4x4x512xf32, #tpu.memory_space<vmem>>, vector<16xf32>,
      tpu.vector_store %arg9[%swap3A_514, %swap3A_515, %swap3A_516], %get3A_511 {strides = array<i32>} : memref<4x4x512xf32, #tpu.memory_space<vmem>>, vector<16xf32>,
      %get3A_518 = arith.constant 1 : i32
      %get3A_519 = arith.constant 0 : i32
      %get3A_520 = arith.index_cast %get3A_518 : i32 to index
      %get3A_521 = arith.index_cast %get3A_519 : i32 to index
      %get3A_522 = arith.constant 16 : index
      %get3A_523 = tpu.vector_load %arg8[%get3A_520, %get3A_521, %get3A_522] {strides = array<i32>} : memref<3x8x512xf32, #tpu.memory_space<vmem>>, vector<16xf32>,
      %swap3A_524 = arith.constant 1 : i32
      %swap3A_525 = arith.constant 3 : i32
      %swap3A_526 = arith.index_cast %swap3A_524 : i32 to index
      %swap3A_527 = arith.index_cast %swap3A_525 : i32 to index
      %swap3A_528 = arith.constant 16 : index
      %swap3A_529 = tpu.vector_load %arg9[%swap3A_526, %swap3A_527, %swap3A_528] {strides = array<i32>} : memref<4x4x512xf32, #tpu.memory_space<vmem>>, vector<16xf32>,
      tpu.vector_store %arg9[%swap3A_526, %swap3A_527, %swap3A_528], %get3A_523 {strides = array<i32>} : memref<4x4x512xf32, #tpu.memory_space<vmem>>, vector<16xf32>,
      %get3A_530 = arith.constant 1 : i32
      %get3A_531 = arith.constant 0 : i32
      %get3A_532 = arith.index_cast %get3A_530 : i32 to index
      %get3A_533 = arith.index_cast %get3A_531 : i32 to index
      %get3A_534 = arith.constant 32 : index
      %get3A_535 = tpu.vector_load %arg8[%get3A_532, %get3A_533, %get3A_534] {strides = array<i32>} : memref<3x8x512xf32, #tpu.memory_space<vmem>>, vector<16xf32>,
      %swap3A_536 = arith.constant 1 : i32
      %swap3A_537 = arith.constant 3 : i32
      %swap3A_538 = arith.index_cast %swap3A_536 : i32 to index
      %swap3A_539 = arith.index_cast %swap3A_537 : i32 to index
      %swap3A_540 = arith.constant 32 : index
      %swap3A_541 = tpu.vector_load %arg9[%swap3A_538, %swap3A_539, %swap3A_540] {strides = array<i32>} : memref<4x4x512xf32, #tpu.memory_space<vmem>>, vector<16xf32>,
      tpu.vector_store %arg9[%swap3A_538, %swap3A_539, %swap3A_540], %get3A_535 {strides = array<i32>} : memref<4x4x512xf32, #tpu.memory_space<vmem>>, vector<16xf32>,
      %get3A_542 = arith.constant 1 : i32
      %get3A_543 = arith.constant 0 : i32
      %get3A_544 = arith.index_cast %get3A_542 : i32 to index
      %get3A_545 = arith.index_cast %get3A_543 : i32 to index
      %get3A_546 = arith.constant 48 : index
      %get3A_547 = tpu.vector_load %arg8[%get3A_544, %get3A_545, %get3A_546] {strides = array<i32>} : memref<3x8x512xf32, #tpu.memory_space<vmem>>, vector<16xf32>,
      %swap3A_548 = arith.constant 1 : i32
      %swap3A_549 = arith.constant 3 : i32
      %swap3A_550 = arith.index_cast %swap3A_548 : i32 to index
      %swap3A_551 = arith.index_cast %swap3A_549 : i32 to index
      %swap3A_552 = arith.constant 48 : index
      %swap3A_553 = tpu.vector_load %arg9[%swap3A_550, %swap3A_551, %swap3A_552] {strides = array<i32>} : memref<4x4x512xf32, #tpu.memory_space<vmem>>, vector<16xf32>,
      tpu.vector_store %arg9[%swap3A_550, %swap3A_551, %swap3A_552], %get3A_547 {strides = array<i32>} : memref<4x4x512xf32, #tpu.memory_space<vmem>>, vector<16xf32>,
      %get3A_554 = arith.constant 1 : i32
      %get3A_555 = arith.constant 0 : i32
      %get3A_556 = arith.index_cast %get3A_554 : i32 to index
      %get3A_557 = arith.index_cast %get3A_555 : i32 to index
      %get3A_558 = arith.constant 64 : index
      %get3A_559 = tpu.vector_load %arg8[%get3A_556, %get3A_557, %get3A_558] {strides = array<i32>} : memref<3x8x512xf32, #tpu.memory_space<vmem>>, vector<16xf32>,
      %swap3A_560 = arith.constant 1 : i32
      %swap3A_561 = arith.constant 3 : i32
      %swap3A_562 = arith.index_cast %swap3A_560 : i32 to index
      %swap3A_563 = arith.index_cast %swap3A_561 : i32 to index
      %swap3A_564 = arith.constant 64 : index
      %swap3A_565 = tpu.vector_load %arg9[%swap3A_562, %swap3A_563, %swap3A_564] {strides = array<i32>} : memref<4x4x512xf32, #tpu.memory_space<vmem>>, vector<16xf32>,
      tpu.vector_store %arg9[%swap3A_562, %swap3A_563, %swap3A_564], %get3A_559 {strides = array<i32>} : memref<4x4x512xf32, #tpu.memory_space<vmem>>, vector<16xf32>,
      %get3A_566 = arith.constant 1 : i32
      %get3A_567 = arith.constant 0 : i32
      %get3A_568 = arith.index_cast %get3A_566 : i32 to index
      %get3A_569 = arith.index_cast %get3A_567 : i32 to index
      %get3A_570 = arith.constant 80 : index
      %get3A_571 = tpu.vector_load %arg8[%get3A_568, %get3A_569, %get3A_570] {strides = array<i32>} : memref<3x8x512xf32, #tpu.memory_space<vmem>>, vector<16xf32>,
      %swap3A_572 = arith.constant 1 : i32
      %swap3A_573 = arith.constant 3 : i32
      %swap3A_574 = arith.index_cast %swap3A_572 : i32 to index
      %swap3A_575 = arith.index_cast %swap3A_573 : i32 to index
      %swap3A_576 = arith.constant 80 : index
      %swap3A_577 = tpu.vector_load %arg9[%swap3A_574, %swap3A_575, %swap3A_576] {strides = array<i32>} : memref<4x4x512xf32, #tpu.memory_space<vmem>>, vector<16xf32>,
      tpu.vector_store %arg9[%swap3A_574, %swap3A_575, %swap3A_576], %get3A_571 {strides = array<i32>} : memref<4x4x512xf32, #tpu.memory_space<vmem>>, vector<16xf32>,
      %get3A_578 = arith.constant 1 : i32
      %get3A_579 = arith.constant 0 : i32
      %get3A_580 = arith.index_cast %get3A_578 : i32 to index
      %get3A_581 = arith.index_cast %get3A_579 : i32 to index
      %get3A_582 = arith.constant 96 : index
      %get3A_583 = tpu.vector_load %arg8[%get3A_580, %get3A_581, %get3A_582] {strides = array<i32>} : memref<3x8x512xf32, #tpu.memory_space<vmem>>, vector<16xf32>,
      %swap3A_584 = arith.constant 1 : i32
      %swap3A_585 = arith.constant 3 : i32
      %swap3A_586 = arith.index_cast %swap3A_584 : i32 to index
      %swap3A_587 = arith.index_cast %swap3A_585 : i32 to index
      %swap3A_588 = arith.constant 96 : index
      %swap3A_589 = tpu.vector_load %arg9[%swap3A_586, %swap3A_587, %swap3A_588] {strides = array<i32>} : memref<4x4x512xf32, #tpu.memory_space<vmem>>, vector<16xf32>,
      tpu.vector_store %arg9[%swap3A_586, %swap3A_587, %swap3A_588], %get3A_583 {strides = array<i32>} : memref<4x4x512xf32, #tpu.memory_space<vmem>>, vector<16xf32>,
      %get3A_590 = arith.constant 1 : i32
      %get3A_591 = arith.constant 0 : i32
      %get3A_592 = arith.index_cast %get3A_590 : i32 to index
      %get3A_593 = arith.index_cast %get3A_591 : i32 to index
      %get3A_594 = arith.constant 112 : index
      %get3A_595 = tpu.vector_load %arg8[%get3A_592, %get3A_593, %get3A_594] {strides = array<i32>} : memref<3x8x512xf32, #tpu.memory_space<vmem>>, vector<16xf32>,
      %swap3A_596 = arith.constant 1 : i32
      %swap3A_597 = arith.constant 3 : i32
      %swap3A_598 = arith.index_cast %swap3A_596 : i32 to index
      %swap3A_599 = arith.index_cast %swap3A_597 : i32 to index
      %swap3A_600 = arith.constant 112 : index
      %swap3A_601 = tpu.vector_load %arg9[%swap3A_598, %swap3A_599, %swap3A_600] {strides = array<i32>} : memref<4x4x512xf32, #tpu.memory_space<vmem>>, vector<16xf32>,
      tpu.vector_store %arg9[%swap3A_598, %swap3A_599, %swap3A_600], %get3A_595 {strides = array<i32>} : memref<4x4x512xf32, #tpu.memory_space<vmem>>, vector<16xf32>,
      %get3A_602 = arith.constant 1 : i32
      %get3A_603 = arith.constant 0 : i32
      %get3A_604 = arith.index_cast %get3A_602 : i32 to index
      %get3A_605 = arith.index_cast %get3A_603 : i32 to index
      %get3A_606 = arith.constant 128 : index
      %get3A_607 = tpu.vector_load %arg8[%get3A_604, %get3A_605, %get3A_606] {strides = array<i32>} : memref<3x8x512xf32, #tpu.memory_space<vmem>>, vector<16xf32>,
      %swap3A_608 = arith.constant 1 : i32
      %swap3A_609 = arith.constant 3 : i32
      %swap3A_610 = arith.index_cast %swap3A_608 : i32 to index
      %swap3A_611 = arith.index_cast %swap3A_609 : i32 to index
      %swap3A_612 = arith.constant 128 : index
      %swap3A_613 = tpu.vector_load %arg9[%swap3A_610, %swap3A_611, %swap3A_612] {strides = array<i32>} : memref<4x4x512xf32, #tpu.memory_space<vmem>>, vector<16xf32>,
      tpu.vector_store %arg9[%swap3A_610, %swap3A_611, %swap3A_612], %get3A_607 {strides = array<i32>} : memref<4x4x512xf32, #tpu.memory_space<vmem>>, vector<16xf32>,
      %get3A_614 = arith.constant 1 : i32
      %get3A_615 = arith.constant 0 : i32
      %get3A_616 = arith.index_cast %get3A_614 : i32 to index
      %get3A_617 = arith.index_cast %get3A_615 : i32 to index
      %get3A_618 = arith.constant 144 : index
      %get3A_619 = tpu.vector_load %arg8[%get3A_616, %get3A_617, %get3A_618] {strides = array<i32>} : memref<3x8x512xf32, #tpu.memory_space<vmem>>, vector<16xf32>,
      %swap3A_620 = arith.constant 1 : i32
      %swap3A_621 = arith.constant 3 : i32
      %swap3A_622 = arith.index_cast %swap3A_620 : i32 to index
      %swap3A_623 = arith.index_cast %swap3A_621 : i32 to index
      %swap3A_624 = arith.constant 144 : index
      %swap3A_625 = tpu.vector_load %arg9[%swap3A_622, %swap3A_623, %swap3A_624] {strides = array<i32>} : memref<4x4x512xf32, #tpu.memory_space<vmem>>, vector<16xf32>,
      tpu.vector_store %arg9[%swap3A_622, %swap3A_623, %swap3A_624], %get3A_619 {strides = array<i32>} : memref<4x4x512xf32, #tpu.memory_space<vmem>>, vector<16xf32>,
      %get3A_626 = arith.constant 1 : i32
      %get3A_627 = arith.constant 0 : i32
      %get3A_628 = arith.index_cast %get3A_626 : i32 to index
      %get3A_629 = arith.index_cast %get3A_627 : i32 to index
      %get3A_630 = arith.constant 160 : index
      %get3A_631 = tpu.vector_load %arg8[%get3A_628, %get3A_629, %get3A_630] {strides = array<i32>} : memref<3x8x512xf32, #tpu.memory_space<vmem>>, vector<16xf32>,
      %swap3A_632 = arith.constant 1 : i32
      %swap3A_633 = arith.constant 3 : i32
      %swap3A_634 = arith.index_cast %swap3A_632 : i32 to index
      %swap3A_635 = arith.index_cast %swap3A_633 : i32 to index
      %swap3A_636 = arith.constant 160 : index
      %swap3A_637 = tpu.vector_load %arg9[%swap3A_634, %swap3A_635, %swap3A_636] {strides = array<i32>} : memref<4x4x512xf32, #tpu.memory_space<vmem>>, vector<16xf32>,
      tpu.vector_store %arg9[%swap3A_634, %swap3A_635, %swap3A_636], %get3A_631 {strides = array<i32>} : memref<4x4x512xf32, #tpu.memory_space<vmem>>, vector<16xf32>,
      %get3A_638 = arith.constant 1 : i32
      %get3A_639 = arith.constant 0 : i32
      %get3A_640 = arith.index_cast %get3A_638 : i32 to index
      %get3A_641 = arith.index_cast %get3A_639 : i32 to index
      %get3A_642 = arith.constant 176 : index
      %get3A_643 = tpu.vector_load %arg8[%get3A_640, %get3A_641, %get3A_642] {strides = array<i32>} : memref<3x8x512xf32, #tpu.memory_space<vmem>>, vector<16xf32>,
      %swap3A_644 = arith.constant 1 : i32
      %swap3A_645 = arith.constant 3 : i32
      %swap3A_646 = arith.index_cast %swap3A_644 : i32 to index
      %swap3A_647 = arith.index_cast %swap3A_645 : i32 to index
      %swap3A_648 = arith.constant 176 : index
      %swap3A_649 = tpu.vector_load %arg9[%swap3A_646, %swap3A_647, %swap3A_648] {strides = array<i32>} : memref<4x4x512xf32, #tpu.memory_space<vmem>>, vector<16xf32>,
      tpu.vector_store %arg9[%swap3A_646, %swap3A_647, %swap3A_648], %get3A_643 {strides = array<i32>} : memref<4x4x512xf32, #tpu.memory_space<vmem>>, vector<16xf32>,
      %get3A_650 = arith.constant 1 : i32
      %get3A_651 = arith.constant 0 : i32
      %get3A_652 = arith.index_cast %get3A_650 : i32 to index
      %get3A_653 = arith.index_cast %get3A_651 : i32 to index
      %get3A_654 = arith.constant 192 : index
      %get3A_655 = tpu.vector_load %arg8[%get3A_652, %get3A_653, %get3A_654] {strides = array<i32>} : memref<3x8x512xf32, #tpu.memory_space<vmem>>, vector<16xf32>,
      %swap3A_656 = arith.constant 1 : i32
      %swap3A_657 = arith.constant 3 : i32
      %swap3A_658 = arith.index_cast %swap3A_656 : i32 to index
      %swap3A_659 = arith.index_cast %swap3A_657 : i32 to index
      %swap3A_660 = arith.constant 192 : index
      %swap3A_661 = tpu.vector_load %arg9[%swap3A_658, %swap3A_659, %swap3A_660] {strides = array<i32>} : memref<4x4x512xf32, #tpu.memory_space<vmem>>, vector<16xf32>,
      tpu.vector_store %arg9[%swap3A_658, %swap3A_659, %swap3A_660], %get3A_655 {strides = array<i32>} : memref<4x4x512xf32, #tpu.memory_space<vmem>>, vector<16xf32>,
      %get3A_662 = arith.constant 1 : i32
      %get3A_663 = arith.constant 0 : i32
      %get3A_664 = arith.index_cast %get3A_662 : i32 to index
      %get3A_665 = arith.index_cast %get3A_663 : i32 to index
      %get3A_666 = arith.constant 208 : index
      %get3A_667 = tpu.vector_load %arg8[%get3A_664, %get3A_665, %get3A_666] {strides = array<i32>} : memref<3x8x512xf32, #tpu.memory_space<vmem>>, vector<16xf32>,
      %swap3A_668 = arith.constant 1 : i32
      %swap3A_669 = arith.constant 3 : i32
      %swap3A_670 = arith.index_cast %swap3A_668 : i32 to index
      %swap3A_671 = arith.index_cast %swap3A_669 : i32 to index
      %swap3A_672 = arith.constant 208 : index
      %swap3A_673 = tpu.vector_load %arg9[%swap3A_670, %swap3A_671, %swap3A_672] {strides = array<i32>} : memref<4x4x512xf32, #tpu.memory_space<vmem>>, vector<16xf32>,
      tpu.vector_store %arg9[%swap3A_670, %swap3A_671, %swap3A_672], %get3A_667 {strides = array<i32>} : memref<4x4x512xf32, #tpu.memory_space<vmem>>, vector<16xf32>,
      %get3A_674 = arith.constant 1 : i32
      %get3A_675 = arith.constant 0 : i32
      %get3A_676 = arith.index_cast %get3A_674 : i32 to index
      %get3A_677 = arith.index_cast %get3A_675 : i32 to index
      %get3A_678 = arith.constant 224 : index
      %get3A_679 = tpu.vector_load %arg8[%get3A_676, %get3A_677, %get3A_678] {strides = array<i32>} : memref<3x8x512xf32, #tpu.memory_space<vmem>>, vector<16xf32>,
      %swap3A_680 = arith.constant 1 : i32
      %swap3A_681 = arith.constant 3 : i32
      %swap3A_682 = arith.index_cast %swap3A_680 : i32 to index
      %swap3A_683 = arith.index_cast %swap3A_681 : i32 to index
      %swap3A_684 = arith.constant 224 : index
      %swap3A_685 = tpu.vector_load %arg9[%swap3A_682, %swap3A_683, %swap3A_684] {strides = array<i32>} : memref<4x4x512xf32, #tpu.memory_space<vmem>>, vector<16xf32>,
      tpu.vector_store %arg9[%swap3A_682, %swap3A_683, %swap3A_684], %get3A_679 {strides = array<i32>} : memref<4x4x512xf32, #tpu.memory_space<vmem>>, vector<16xf32>,
      %get3A_686 = arith.constant 1 : i32
      %get3A_687 = arith.constant 0 : i32
      %get3A_688 = arith.index_cast %get3A_686 : i32 to index
      %get3A_689 = arith.index_cast %get3A_687 : i32 to index
      %get3A_690 = arith.constant 240 : index
      %get3A_691 = tpu.vector_load %arg8[%get3A_688, %get3A_689, %get3A_690] {strides = array<i32>} : memref<3x8x512xf32, #tpu.memory_space<vmem>>, vector<16xf32>,
      %swap3A_692 = arith.constant 1 : i32
      %swap3A_693 = arith.constant 3 : i32
      %swap3A_694 = arith.index_cast %swap3A_692 : i32 to index
      %swap3A_695 = arith.index_cast %swap3A_693 : i32 to index
      %swap3A_696 = arith.constant 240 : index
      %swap3A_697 = tpu.vector_load %arg9[%swap3A_694, %swap3A_695, %swap3A_696] {strides = array<i32>} : memref<4x4x512xf32, #tpu.memory_space<vmem>>, vector<16xf32>,
      tpu.vector_store %arg9[%swap3A_694, %swap3A_695, %swap3A_696], %get3A_691 {strides = array<i32>} : memref<4x4x512xf32, #tpu.memory_space<vmem>>, vector<16xf32>,
      %get3A_698 = arith.constant 1 : i32
      %get3A_699 = arith.constant 0 : i32
      %get3A_700 = arith.index_cast %get3A_698 : i32 to index
      %get3A_701 = arith.index_cast %get3A_699 : i32 to index
      %get3A_702 = arith.constant 256 : index
      %get3A_703 = tpu.vector_load %arg8[%get3A_700, %get3A_701, %get3A_702] {strides = array<i32>} : memref<3x8x512xf32, #tpu.memory_space<vmem>>, vector<16xf32>,
      %swap3A_704 = arith.constant 1 : i32
      %swap3A_705 = arith.constant 3 : i32
      %swap3A_706 = arith.index_cast %swap3A_704 : i32 to index
      %swap3A_707 = arith.index_cast %swap3A_705 : i32 to index
      %swap3A_708 = arith.constant 256 : index
      %swap3A_709 = tpu.vector_load %arg9[%swap3A_706, %swap3A_707, %swap3A_708] {strides = array<i32>} : memref<4x4x512xf32, #tpu.memory_space<vmem>>, vector<16xf32>,
      tpu.vector_store %arg9[%swap3A_706, %swap3A_707, %swap3A_708], %get3A_703 {strides = array<i32>} : memref<4x4x512xf32, #tpu.memory_space<vmem>>, vector<16xf32>,
      %get3A_710 = arith.constant 1 : i32
      %get3A_711 = arith.constant 0 : i32
      %get3A_712 = arith.index_cast %get3A_710 : i32 to index
      %get3A_713 = arith.index_cast %get3A_711 : i32 to index
      %get3A_714 = arith.constant 272 : index
      %get3A_715 = tpu.vector_load %arg8[%get3A_712, %get3A_713, %get3A_714] {strides = array<i32>} : memref<3x8x512xf32, #tpu.memory_space<vmem>>, vector<16xf32>,
      %swap3A_716 = arith.constant 1 : i32
      %swap3A_717 = arith.constant 3 : i32
      %swap3A_718 = arith.index_cast %swap3A_716 : i32 to index
      %swap3A_719 = arith.index_cast %swap3A_717 : i32 to index
      %swap3A_720 = arith.constant 272 : index
      %swap3A_721 = tpu.vector_load %arg9[%swap3A_718, %swap3A_719, %swap3A_720] {strides = array<i32>} : memref<4x4x512xf32, #tpu.memory_space<vmem>>, vector<16xf32>,
      tpu.vector_store %arg9[%swap3A_718, %swap3A_719, %swap3A_720], %get3A_715 {strides = array<i32>} : memref<4x4x512xf32, #tpu.memory_space<vmem>>, vector<16xf32>,
      %get3A_722 = arith.constant 1 : i32
      %get3A_723 = arith.constant 0 : i32
      %get3A_724 = arith.index_cast %get3A_722 : i32 to index
      %get3A_725 = arith.index_cast %get3A_723 : i32 to index
      %get3A_726 = arith.constant 288 : index
      %get3A_727 = tpu.vector_load %arg8[%get3A_724, %get3A_725, %get3A_726] {strides = array<i32>} : memref<3x8x512xf32, #tpu.memory_space<vmem>>, vector<16xf32>,
      %swap3A_728 = arith.constant 1 : i32
      %swap3A_729 = arith.constant 3 : i32
      %swap3A_730 = arith.index_cast %swap3A_728 : i32 to index
      %swap3A_731 = arith.index_cast %swap3A_729 : i32 to index
      %swap3A_732 = arith.constant 288 : index
      %swap3A_733 = tpu.vector_load %arg9[%swap3A_730, %swap3A_731, %swap3A_732] {strides = array<i32>} : memref<4x4x512xf32, #tpu.memory_space<vmem>>, vector<16xf32>,
      tpu.vector_store %arg9[%swap3A_730, %swap3A_731, %swap3A_732], %get3A_727 {strides = array<i32>} : memref<4x4x512xf32, #tpu.memory_space<vmem>>, vector<16xf32>,
      %get3A_734 = arith.constant 1 : i32
      %get3A_735 = arith.constant 0 : i32
      %get3A_736 = arith.index_cast %get3A_734 : i32 to index
      %get3A_737 = arith.index_cast %get3A_735 : i32 to index
      %get3A_738 = arith.constant 304 : index
      %get3A_739 = tpu.vector_load %arg8[%get3A_736, %get3A_737, %get3A_738] {strides = array<i32>} : memref<3x8x512xf32, #tpu.memory_space<vmem>>, vector<16xf32>,
      %swap3A_740 = arith.constant 1 : i32
      %swap3A_741 = arith.constant 3 : i32
      %swap3A_742 = arith.index_cast %swap3A_740 : i32 to index
      %swap3A_743 = arith.index_cast %swap3A_741 : i32 to index
      %swap3A_744 = arith.constant 304 : index
      %swap3A_745 = tpu.vector_load %arg9[%swap3A_742, %swap3A_743, %swap3A_744] {strides = array<i32>} : memref<4x4x512xf32, #tpu.memory_space<vmem>>, vector<16xf32>,
      tpu.vector_store %arg9[%swap3A_742, %swap3A_743, %swap3A_744], %get3A_739 {strides = array<i32>} : memref<4x4x512xf32, #tpu.memory_space<vmem>>, vector<16xf32>,
      %get3A_746 = arith.constant 1 : i32
      %get3A_747 = arith.constant 0 : i32
      %get3A_748 = arith.index_cast %get3A_746 : i32 to index
      %get3A_749 = arith.index_cast %get3A_747 : i32 to index
      %get3A_750 = arith.constant 320 : index
      %get3A_751 = tpu.vector_load %arg8[%get3A_748, %get3A_749, %get3A_750] {strides = array<i32>} : memref<3x8x512xf32, #tpu.memory_space<vmem>>, vector<16xf32>,
      %swap3A_752 = arith.constant 1 : i32
      %swap3A_753 = arith.constant 3 : i32
      %swap3A_754 = arith.index_cast %swap3A_752 : i32 to index
      %swap3A_755 = arith.index_cast %swap3A_753 : i32 to index
      %swap3A_756 = arith.constant 320 : index
      %swap3A_757 = tpu.vector_load %arg9[%swap3A_754, %swap3A_755, %swap3A_756] {strides = array<i32>} : memref<4x4x512xf32, #tpu.memory_space<vmem>>, vector<16xf32>,
      tpu.vector_store %arg9[%swap3A_754, %swap3A_755, %swap3A_756], %get3A_751 {strides = array<i32>} : memref<4x4x512xf32, #tpu.memory_space<vmem>>, vector<16xf32>,
      %get3A_758 = arith.constant 1 : i32
      %get3A_759 = arith.constant 0 : i32
      %get3A_760 = arith.index_cast %get3A_758 : i32 to index
      %get3A_761 = arith.index_cast %get3A_759 : i32 to index
      %get3A_762 = arith.constant 336 : index
      %get3A_763 = tpu.vector_load %arg8[%get3A_760, %get3A_761, %get3A_762] {strides = array<i32>} : memref<3x8x512xf32, #tpu.memory_space<vmem>>, vector<16xf32>,
      %swap3A_764 = arith.constant 1 : i32
      %swap3A_765 = arith.constant 3 : i32
      %swap3A_766 = arith.index_cast %swap3A_764 : i32 to index
      %swap3A_767 = arith.index_cast %swap3A_765 : i32 to index
      %swap3A_768 = arith.constant 336 : index
      %swap3A_769 = tpu.vector_load %arg9[%swap3A_766, %swap3A_767, %swap3A_768] {strides = array<i32>} : memref<4x4x512xf32, #tpu.memory_space<vmem>>, vector<16xf32>,
      tpu.vector_store %arg9[%swap3A_766, %swap3A_767, %swap3A_768], %get3A_763 {strides = array<i32>} : memref<4x4x512xf32, #tpu.memory_space<vmem>>, vector<16xf32>,
      %get3A_770 = arith.constant 1 : i32
      %get3A_771 = arith.constant 0 : i32
      %get3A_772 = arith.index_cast %get3A_770 : i32 to index
      %get3A_773 = arith.index_cast %get3A_771 : i32 to index
      %get3A_774 = arith.constant 352 : index
      %get3A_775 = tpu.vector_load %arg8[%get3A_772, %get3A_773, %get3A_774] {strides = array<i32>} : memref<3x8x512xf32, #tpu.memory_space<vmem>>, vector<16xf32>,
      %swap3A_776 = arith.constant 1 : i32
      %swap3A_777 = arith.constant 3 : i32
      %swap3A_778 = arith.index_cast %swap3A_776 : i32 to index
      %swap3A_779 = arith.index_cast %swap3A_777 : i32 to index
      %swap3A_780 = arith.constant 352 : index
      %swap3A_781 = tpu.vector_load %arg9[%swap3A_778, %swap3A_779, %swap3A_780] {strides = array<i32>} : memref<4x4x512xf32, #tpu.memory_space<vmem>>, vector<16xf32>,
      tpu.vector_store %arg9[%swap3A_778, %swap3A_779, %swap3A_780], %get3A_775 {strides = array<i32>} : memref<4x4x512xf32, #tpu.memory_space<vmem>>, vector<16xf32>,
      %get3A_782 = arith.constant 1 : i32
      %get3A_783 = arith.constant 0 : i32
      %get3A_784 = arith.index_cast %get3A_782 : i32 to index
      %get3A_785 = arith.index_cast %get3A_783 : i32 to index
      %get3A_786 = arith.constant 368 : index
      %get3A_787 = tpu.vector_load %arg8[%get3A_784, %get3A_785, %get3A_786] {strides = array<i32>} : memref<3x8x512xf32, #tpu.memory_space<vmem>>, vector<16xf32>,
      %swap3A_788 = arith.constant 1 : i32
      %swap3A_789 = arith.constant 3 : i32
      %swap3A_790 = arith.index_cast %swap3A_788 : i32 to index
      %swap3A_791 = arith.index_cast %swap3A_789 : i32 to index
      %swap3A_792 = arith.constant 368 : index
      %swap3A_793 = tpu.vector_load %arg9[%swap3A_790, %swap3A_791, %swap3A_792] {strides = array<i32>} : memref<4x4x512xf32, #tpu.memory_space<vmem>>, vector<16xf32>,
      tpu.vector_store %arg9[%swap3A_790, %swap3A_791, %swap3A_792], %get3A_787 {strides = array<i32>} : memref<4x4x512xf32, #tpu.memory_space<vmem>>, vector<16xf32>,
      %get3A_794 = arith.constant 1 : i32
      %get3A_795 = arith.constant 0 : i32
      %get3A_796 = arith.index_cast %get3A_794 : i32 to index
      %get3A_797 = arith.index_cast %get3A_795 : i32 to index
      %get3A_798 = arith.constant 384 : index
      %get3A_799 = tpu.vector_load %arg8[%get3A_796, %get3A_797, %get3A_798] {strides = array<i32>} : memref<3x8x512xf32, #tpu.memory_space<vmem>>, vector<16xf32>,
      %swap3A_800 = arith.constant 1 : i32
      %swap3A_801 = arith.constant 3 : i32
      %swap3A_802 = arith.index_cast %swap3A_800 : i32 to index
      %swap3A_803 = arith.index_cast %swap3A_801 : i32 to index
      %swap3A_804 = arith.constant 384 : index
      %swap3A_805 = tpu.vector_load %arg9[%swap3A_802, %swap3A_803, %swap3A_804] {strides = array<i32>} : memref<4x4x512xf32, #tpu.memory_space<vmem>>, vector<16xf32>,
      tpu.vector_store %arg9[%swap3A_802, %swap3A_803, %swap3A_804], %get3A_799 {strides = array<i32>} : memref<4x4x512xf32, #tpu.memory_space<vmem>>, vector<16xf32>,
      %get3A_806 = arith.constant 1 : i32
      %get3A_807 = arith.constant 0 : i32
      %get3A_808 = arith.index_cast %get3A_806 : i32 to index
      %get3A_809 = arith.index_cast %get3A_807 : i32 to index
      %get3A_810 = arith.constant 400 : index
      %get3A_811 = tpu.vector_load %arg8[%get3A_808, %get3A_809, %get3A_810] {strides = array<i32>} : memref<3x8x512xf32, #tpu.memory_space<vmem>>, vector<16xf32>,
      %swap3A_812 = arith.constant 1 : i32
      %swap3A_813 = arith.constant 3 : i32
      %swap3A_814 = arith.index_cast %swap3A_812 : i32 to index
      %swap3A_815 = arith.index_cast %swap3A_813 : i32 to index
      %swap3A_816 = arith.constant 400 : index
      %swap3A_817 = tpu.vector_load %arg9[%swap3A_814, %swap3A_815, %swap3A_816] {strides = array<i32>} : memref<4x4x512xf32, #tpu.memory_space<vmem>>, vector<16xf32>,
      tpu.vector_store %arg9[%swap3A_814, %swap3A_815, %swap3A_816], %get3A_811 {strides = array<i32>} : memref<4x4x512xf32, #tpu.memory_space<vmem>>, vector<16xf32>,
      %get3A_818 = arith.constant 1 : i32
      %get3A_819 = arith.constant 0 : i32
      %get3A_820 = arith.index_cast %get3A_818 : i32 to index
      %get3A_821 = arith.index_cast %get3A_819 : i32 to index
      %get3A_822 = arith.constant 416 : index
      %get3A_823 = tpu.vector_load %arg8[%get3A_820, %get3A_821, %get3A_822] {strides = array<i32>} : memref<3x8x512xf32, #tpu.memory_space<vmem>>, vector<16xf32>,
      %swap3A_824 = arith.constant 1 : i32
      %swap3A_825 = arith.constant 3 : i32
      %swap3A_826 = arith.index_cast %swap3A_824 : i32 to index
      %swap3A_827 = arith.index_cast %swap3A_825 : i32 to index
      %swap3A_828 = arith.constant 416 : index
      %swap3A_829 = tpu.vector_load %arg9[%swap3A_826, %swap3A_827, %swap3A_828] {strides = array<i32>} : memref<4x4x512xf32, #tpu.memory_space<vmem>>, vector<16xf32>,
      tpu.vector_store %arg9[%swap3A_826, %swap3A_827, %swap3A_828], %get3A_823 {strides = array<i32>} : memref<4x4x512xf32, #tpu.memory_space<vmem>>, vector<16xf32>,
      %get3A_830 = arith.constant 1 : i32
      %get3A_831 = arith.constant 0 : i32
      %get3A_832 = arith.index_cast %get3A_830 : i32 to index
      %get3A_833 = arith.index_cast %get3A_831 : i32 to index
      %get3A_834 = arith.constant 432 : index
      %get3A_835 = tpu.vector_load %arg8[%get3A_832, %get3A_833, %get3A_834] {strides = array<i32>} : memref<3x8x512xf32, #tpu.memory_space<vmem>>, vector<16xf32>,
      %swap3A_836 = arith.constant 1 : i32
      %swap3A_837 = arith.constant 3 : i32
      %swap3A_838 = arith.index_cast %swap3A_836 : i32 to index
      %swap3A_839 = arith.index_cast %swap3A_837 : i32 to index
      %swap3A_840 = arith.constant 432 : index
      %swap3A_841 = tpu.vector_load %arg9[%swap3A_838, %swap3A_839, %swap3A_840] {strides = array<i32>} : memref<4x4x512xf32, #tpu.memory_space<vmem>>, vector<16xf32>,
      tpu.vector_store %arg9[%swap3A_838, %swap3A_839, %swap3A_840], %get3A_835 {strides = array<i32>} : memref<4x4x512xf32, #tpu.memory_space<vmem>>, vector<16xf32>,
      %get3A_842 = arith.constant 1 : i32
      %get3A_843 = arith.constant 0 : i32
      %get3A_844 = arith.index_cast %get3A_842 : i32 to index
      %get3A_845 = arith.index_cast %get3A_843 : i32 to index
      %get3A_846 = arith.constant 448 : index
      %get3A_847 = tpu.vector_load %arg8[%get3A_844, %get3A_845, %get3A_846] {strides = array<i32>} : memref<3x8x512xf32, #tpu.memory_space<vmem>>, vector<16xf32>,
      %swap3A_848 = arith.constant 1 : i32
      %swap3A_849 = arith.constant 3 : i32
      %swap3A_850 = arith.index_cast %swap3A_848 : i32 to index
      %swap3A_851 = arith.index_cast %swap3A_849 : i32 to index
      %swap3A_852 = arith.constant 448 : index
      %swap3A_853 = tpu.vector_load %arg9[%swap3A_850, %swap3A_851, %swap3A_852] {strides = array<i32>} : memref<4x4x512xf32, #tpu.memory_space<vmem>>, vector<16xf32>,
      tpu.vector_store %arg9[%swap3A_850, %swap3A_851, %swap3A_852], %get3A_847 {strides = array<i32>} : memref<4x4x512xf32, #tpu.memory_space<vmem>>, vector<16xf32>,
      %get3A_854 = arith.constant 1 : i32
      %get3A_855 = arith.constant 0 : i32
      %get3A_856 = arith.index_cast %get3A_854 : i32 to index
      %get3A_857 = arith.index_cast %get3A_855 : i32 to index
      %get3A_858 = arith.constant 464 : index
      %get3A_859 = tpu.vector_load %arg8[%get3A_856, %get3A_857, %get3A_858] {strides = array<i32>} : memref<3x8x512xf32, #tpu.memory_space<vmem>>, vector<16xf32>,
      %swap3A_860 = arith.constant 1 : i32
      %swap3A_861 = arith.constant 3 : i32
      %swap3A_862 = arith.index_cast %swap3A_860 : i32 to index
      %swap3A_863 = arith.index_cast %swap3A_861 : i32 to index
      %swap3A_864 = arith.constant 464 : index
      %swap3A_865 = tpu.vector_load %arg9[%swap3A_862, %swap3A_863, %swap3A_864] {strides = array<i32>} : memref<4x4x512xf32, #tpu.memory_space<vmem>>, vector<16xf32>,
      tpu.vector_store %arg9[%swap3A_862, %swap3A_863, %swap3A_864], %get3A_859 {strides = array<i32>} : memref<4x4x512xf32, #tpu.memory_space<vmem>>, vector<16xf32>,
      %get3A_866 = arith.constant 1 : i32
      %get3A_867 = arith.constant 0 : i32
      %get3A_868 = arith.index_cast %get3A_866 : i32 to index
      %get3A_869 = arith.index_cast %get3A_867 : i32 to index
      %get3A_870 = arith.constant 480 : index
      %get3A_871 = tpu.vector_load %arg8[%get3A_868, %get3A_869, %get3A_870] {strides = array<i32>} : memref<3x8x512xf32, #tpu.memory_space<vmem>>, vector<16xf32>,
      %swap3A_872 = arith.constant 1 : i32
      %swap3A_873 = arith.constant 3 : i32
      %swap3A_874 = arith.index_cast %swap3A_872 : i32 to index
      %swap3A_875 = arith.index_cast %swap3A_873 : i32 to index
      %swap3A_876 = arith.constant 480 : index
      %swap3A_877 = tpu.vector_load %arg9[%swap3A_874, %swap3A_875, %swap3A_876] {strides = array<i32>} : memref<4x4x512xf32, #tpu.memory_space<vmem>>, vector<16xf32>,
      tpu.vector_store %arg9[%swap3A_874, %swap3A_875, %swap3A_876], %get3A_871 {strides = array<i32>} : memref<4x4x512xf32, #tpu.memory_space<vmem>>, vector<16xf32>,
      %get3A_878 = arith.constant 1 : i32
      %get3A_879 = arith.constant 0 : i32
      %get3A_880 = arith.index_cast %get3A_878 : i32 to index
      %get3A_881 = arith.index_cast %get3A_879 : i32 to index
      %get3A_882 = arith.constant 496 : index
      %get3A_883 = tpu.vector_load %arg8[%get3A_880, %get3A_881, %get3A_882] {strides = array<i32>} : memref<3x8x512xf32, #tpu.memory_space<vmem>>, vector<16xf32>,
      %swap3A_884 = arith.constant 1 : i32
      %swap3A_885 = arith.constant 3 : i32
      %swap3A_886 = arith.index_cast %swap3A_884 : i32 to index
      %swap3A_887 = arith.index_cast %swap3A_885 : i32 to index
      %swap3A_888 = arith.constant 496 : index
      %swap3A_889 = tpu.vector_load %arg9[%swap3A_886, %swap3A_887, %swap3A_888] {strides = array<i32>} : memref<4x4x512xf32, #tpu.memory_space<vmem>>, vector<16xf32>,
      tpu.vector_store %arg9[%swap3A_886, %swap3A_887, %swap3A_888], %get3A_883 {strides = array<i32>} : memref<4x4x512xf32, #tpu.memory_space<vmem>>, vector<16xf32>,
      %get3A_890 = arith.constant 2 : i32
      %get3A_891 = arith.constant 0 : i32
      %get3A_892 = arith.index_cast %get3A_890 : i32 to index
      %get3A_893 = arith.index_cast %get3A_891 : i32 to index
      %get3A_894 = arith.constant 0 : index
      %get3A_895 = tpu.vector_load %arg8[%get3A_892, %get3A_893, %get3A_894] {strides = array<i32>} : memref<3x8x512xf32, #tpu.memory_space<vmem>>, vector<16xf32>,
      %swap3A_896 = arith.constant 2 : i32
      %swap3A_897 = arith.constant 3 : i32
      %swap3A_898 = arith.index_cast %swap3A_896 : i32 to index
      %swap3A_899 = arith.index_cast %swap3A_897 : i32 to index
      %swap3A_900 = arith.constant 0 : index
      %swap3A_901 = tpu.vector_load %arg9[%swap3A_898, %swap3A_899, %swap3A_900] {strides = array<i32>} : memref<4x4x512xf32, #tpu.memory_space<vmem>>, vector<16xf32>,
      tpu.vector_store %arg9[%swap3A_898, %swap3A_899, %swap3A_900], %get3A_895 {strides = array<i32>} : memref<4x4x512xf32, #tpu.memory_space<vmem>>, vector<16xf32>,
      %get3A_902 = arith.constant 2 : i32
      %get3A_903 = arith.constant 0 : i32
      %get3A_904 = arith.index_cast %get3A_902 : i32 to index
      %get3A_905 = arith.index_cast %get3A_903 : i32 to index
      %get3A_906 = arith.constant 16 : index
      %get3A_907 = tpu.vector_load %arg8[%get3A_904, %get3A_905, %get3A_906] {strides = array<i32>} : memref<3x8x512xf32, #tpu.memory_space<vmem>>, vector<16xf32>,
      %swap3A_908 = arith.constant 2 : i32
      %swap3A_909 = arith.constant 3 : i32
      %swap3A_910 = arith.index_cast %swap3A_908 : i32 to index
      %swap3A_911 = arith.index_cast %swap3A_909 : i32 to index
      %swap3A_912 = arith.constant 16 : index
      %swap3A_913 = tpu.vector_load %arg9[%swap3A_910, %swap3A_911, %swap3A_912] {strides = array<i32>} : memref<4x4x512xf32, #tpu.memory_space<vmem>>, vector<16xf32>,
      tpu.vector_store %arg9[%swap3A_910, %swap3A_911, %swap3A_912], %get3A_907 {strides = array<i32>} : memref<4x4x512xf32, #tpu.memory_space<vmem>>, vector<16xf32>,
      %get3A_914 = arith.constant 2 : i32
      %get3A_915 = arith.constant 0 : i32
      %get3A_916 = arith.index_cast %get3A_914 : i32 to index
      %get3A_917 = arith.index_cast %get3A_915 : i32 to index
      %get3A_918 = arith.constant 32 : index
      %get3A_919 = tpu.vector_load %arg8[%get3A_916, %get3A_917, %get3A_918] {strides = array<i32>} : memref<3x8x512xf32, #tpu.memory_space<vmem>>, vector<16xf32>,
      %swap3A_920 = arith.constant 2 : i32
      %swap3A_921 = arith.constant 3 : i32
      %swap3A_922 = arith.index_cast %swap3A_920 : i32 to index
      %swap3A_923 = arith.index_cast %swap3A_921 : i32 to index
      %swap3A_924 = arith.constant 32 : index
      %swap3A_925 = tpu.vector_load %arg9[%swap3A_922, %swap3A_923, %swap3A_924] {strides = array<i32>} : memref<4x4x512xf32, #tpu.memory_space<vmem>>, vector<16xf32>,
      tpu.vector_store %arg9[%swap3A_922, %swap3A_923, %swap3A_924], %get3A_919 {strides = array<i32>} : memref<4x4x512xf32, #tpu.memory_space<vmem>>, vector<16xf32>,
      %get3A_926 = arith.constant 2 : i32
      %get3A_927 = arith.constant 0 : i32
      %get3A_928 = arith.index_cast %get3A_926 : i32 to index
      %get3A_929 = arith.index_cast %get3A_927 : i32 to index
      %get3A_930 = arith.constant 48 : index
      %get3A_931 = tpu.vector_load %arg8[%get3A_928, %get3A_929, %get3A_930] {strides = array<i32>} : memref<3x8x512xf32, #tpu.memory_space<vmem>>, vector<16xf32>,
      %swap3A_932 = arith.constant 2 : i32
      %swap3A_933 = arith.constant 3 : i32
      %swap3A_934 = arith.index_cast %swap3A_932 : i32 to index
      %swap3A_935 = arith.index_cast %swap3A_933 : i32 to index
      %swap3A_936 = arith.constant 48 : index
      %swap3A_937 = tpu.vector_load %arg9[%swap3A_934, %swap3A_935, %swap3A_936] {strides = array<i32>} : memref<4x4x512xf32, #tpu.memory_space<vmem>>, vector<16xf32>,
      tpu.vector_store %arg9[%swap3A_934, %swap3A_935, %swap3A_936], %get3A_931 {strides = array<i32>} : memref<4x4x512xf32, #tpu.memory_space<vmem>>, vector<16xf32>,
      %get3A_938 = arith.constant 2 : i32
      %get3A_939 = arith.constant 0 : i32
      %get3A_940 = arith.index_cast %get3A_938 : i32 to index
      %get3A_941 = arith.index_cast %get3A_939 : i32 to index
      %get3A_942 = arith.constant 64 : index
      %get3A_943 = tpu.vector_load %arg8[%get3A_940, %get3A_941, %get3A_942] {strides = array<i32>} : memref<3x8x512xf32, #tpu.memory_space<vmem>>, vector<16xf32>,
      %swap3A_944 = arith.constant 2 : i32
      %swap3A_945 = arith.constant 3 : i32
      %swap3A_946 = arith.index_cast %swap3A_944 : i32 to index
      %swap3A_947 = arith.index_cast %swap3A_945 : i32 to index
      %swap3A_948 = arith.constant 64 : index
      %swap3A_949 = tpu.vector_load %arg9[%swap3A_946, %swap3A_947, %swap3A_948] {strides = array<i32>} : memref<4x4x512xf32, #tpu.memory_space<vmem>>, vector<16xf32>,
      tpu.vector_store %arg9[%swap3A_946, %swap3A_947, %swap3A_948], %get3A_943 {strides = array<i32>} : memref<4x4x512xf32, #tpu.memory_space<vmem>>, vector<16xf32>,
      %get3A_950 = arith.constant 2 : i32
      %get3A_951 = arith.constant 0 : i32
      %get3A_952 = arith.index_cast %get3A_950 : i32 to index
      %get3A_953 = arith.index_cast %get3A_951 : i32 to index
      %get3A_954 = arith.constant 80 : index
      %get3A_955 = tpu.vector_load %arg8[%get3A_952, %get3A_953, %get3A_954] {strides = array<i32>} : memref<3x8x512xf32, #tpu.memory_space<vmem>>, vector<16xf32>,
      %swap3A_956 = arith.constant 2 : i32
      %swap3A_957 = arith.constant 3 : i32
      %swap3A_958 = arith.index_cast %swap3A_956 : i32 to index
      %swap3A_959 = arith.index_cast %swap3A_957 : i32 to index
      %swap3A_960 = arith.constant 80 : index
      %swap3A_961 = tpu.vector_load %arg9[%swap3A_958, %swap3A_959, %swap3A_960] {strides = array<i32>} : memref<4x4x512xf32, #tpu.memory_space<vmem>>, vector<16xf32>,
      tpu.vector_store %arg9[%swap3A_958, %swap3A_959, %swap3A_960], %get3A_955 {strides = array<i32>} : memref<4x4x512xf32, #tpu.memory_space<vmem>>, vector<16xf32>,
      %get3A_962 = arith.constant 2 : i32
      %get3A_963 = arith.constant 0 : i32
      %get3A_964 = arith.index_cast %get3A_962 : i32 to index
      %get3A_965 = arith.index_cast %get3A_963 : i32 to index
      %get3A_966 = arith.constant 96 : index
      %get3A_967 = tpu.vector_load %arg8[%get3A_964, %get3A_965, %get3A_966] {strides = array<i32>} : memref<3x8x512xf32, #tpu.memory_space<vmem>>, vector<16xf32>,
      %swap3A_968 = arith.constant 2 : i32
      %swap3A_969 = arith.constant 3 : i32
      %swap3A_970 = arith.index_cast %swap3A_968 : i32 to index
      %swap3A_971 = arith.index_cast %swap3A_969 : i32 to index
      %swap3A_972 = arith.constant 96 : index
      %swap3A_973 = tpu.vector_load %arg9[%swap3A_970, %swap3A_971, %swap3A_972] {strides = array<i32>} : memref<4x4x512xf32, #tpu.memory_space<vmem>>, vector<16xf32>,
      tpu.vector_store %arg9[%swap3A_970, %swap3A_971, %swap3A_972], %get3A_967 {strides = array<i32>} : memref<4x4x512xf32, #tpu.memory_space<vmem>>, vector<16xf32>,
      %get3A_974 = arith.constant 2 : i32
      %get3A_975 = arith.constant 0 : i32
      %get3A_976 = arith.index_cast %get3A_974 : i32 to index
      %get3A_977 = arith.index_cast %get3A_975 : i32 to index
      %get3A_978 = arith.constant 112 : index
      %get3A_979 = tpu.vector_load %arg8[%get3A_976, %get3A_977, %get3A_978] {strides = array<i32>} : memref<3x8x512xf32, #tpu.memory_space<vmem>>, vector<16xf32>,
      %swap3A_980 = arith.constant 2 : i32
      %swap3A_981 = arith.constant 3 : i32
      %swap3A_982 = arith.index_cast %swap3A_980 : i32 to index
      %swap3A_983 = arith.index_cast %swap3A_981 : i32 to index
      %swap3A_984 = arith.constant 112 : index
      %swap3A_985 = tpu.vector_load %arg9[%swap3A_982, %swap3A_983, %swap3A_984] {strides = array<i32>} : memref<4x4x512xf32, #tpu.memory_space<vmem>>, vector<16xf32>,
      tpu.vector_store %arg9[%swap3A_982, %swap3A_983, %swap3A_984], %get3A_979 {strides = array<i32>} : memref<4x4x512xf32, #tpu.memory_space<vmem>>, vector<16xf32>,
      %get3A_986 = arith.constant 2 : i32
      %get3A_987 = arith.constant 0 : i32
      %get3A_988 = arith.index_cast %get3A_986 : i32 to index
      %get3A_989 = arith.index_cast %get3A_987 : i32 to index
      %get3A_990 = arith.constant 128 : index
      %get3A_991 = tpu.vector_load %arg8[%get3A_988, %get3A_989, %get3A_990] {strides = array<i32>} : memref<3x8x512xf32, #tpu.memory_space<vmem>>, vector<16xf32>,
      %swap3A_992 = arith.constant 2 : i32
      %swap3A_993 = arith.constant 3 : i32
      %swap3A_994 = arith.index_cast %swap3A_992 : i32 to index
      %swap3A_995 = arith.index_cast %swap3A_993 : i32 to index
      %swap3A_996 = arith.constant 128 : index
      %swap3A_997 = tpu.vector_load %arg9[%swap3A_994, %swap3A_995, %swap3A_996] {strides = array<i32>} : memref<4x4x512xf32, #tpu.memory_space<vmem>>, vector<16xf32>,
      tpu.vector_store %arg9[%swap3A_994, %swap3A_995, %swap3A_996], %get3A_991 {strides = array<i32>} : memref<4x4x512xf32, #tpu.memory_space<vmem>>, vector<16xf32>,
      %get3A_998 = arith.constant 2 : i32
      %get3A_999 = arith.constant 0 : i32
      %get3A_1000 = arith.index_cast %get3A_998 : i32 to index
      %get3A_1001 = arith.index_cast %get3A_999 : i32 to index
      %get3A_1002 = arith.constant 144 : index
      %get3A_1003 = tpu.vector_load %arg8[%get3A_1000, %get3A_1001, %get3A_1002] {strides = array<i32>} : memref<3x8x512xf32, #tpu.memory_space<vmem>>, vector<16xf32>,
      %swap3A_1004 = arith.constant 2 : i32
      %swap3A_1005 = arith.constant 3 : i32
      %swap3A_1006 = arith.index_cast %swap3A_1004 : i32 to index
      %swap3A_1007 = arith.index_cast %swap3A_1005 : i32 to index
      %swap3A_1008 = arith.constant 144 : index
      %swap3A_1009 = tpu.vector_load %arg9[%swap3A_1006, %swap3A_1007, %swap3A_1008] {strides = array<i32>} : memref<4x4x512xf32, #tpu.memory_space<vmem>>, vector<16xf32>,
      tpu.vector_store %arg9[%swap3A_1006, %swap3A_1007, %swap3A_1008], %get3A_1003 {strides = array<i32>} : memref<4x4x512xf32, #tpu.memory_space<vmem>>, vector<16xf32>,
      %get3A_1010 = arith.constant 2 : i32
      %get3A_1011 = arith.constant 0 : i32
      %get3A_1012 = arith.index_cast %get3A_1010 : i32 to index
      %get3A_1013 = arith.index_cast %get3A_1011 : i32 to index
      %get3A_1014 = arith.constant 160 : index
      %get3A_1015 = tpu.vector_load %arg8[%get3A_1012, %get3A_1013, %get3A_1014] {strides = array<i32>} : memref<3x8x512xf32, #tpu.memory_space<vmem>>, vector<16xf32>,
      %swap3A_1016 = arith.constant 2 : i32
      %swap3A_1017 = arith.constant 3 : i32
      %swap3A_1018 = arith.index_cast %swap3A_1016 : i32 to index
      %swap3A_1019 = arith.index_cast %swap3A_1017 : i32 to index
      %swap3A_1020 = arith.constant 160 : index
      %swap3A_1021 = tpu.vector_load %arg9[%swap3A_1018, %swap3A_1019, %swap3A_1020] {strides = array<i32>} : memref<4x4x512xf32, #tpu.memory_space<vmem>>, vector<16xf32>,
      tpu.vector_store %arg9[%swap3A_1018, %swap3A_1019, %swap3A_1020], %get3A_1015 {strides = array<i32>} : memref<4x4x512xf32, #tpu.memory_space<vmem>>, vector<16xf32>,
      %get3A_1022 = arith.constant 2 : i32
      %get3A_1023 = arith.constant 0 : i32
      %get3A_1024 = arith.index_cast %get3A_1022 : i32 to index
      %get3A_1025 = arith.index_cast %get3A_1023 : i32 to index
      %get3A_1026 = arith.constant 176 : index
      %get3A_1027 = tpu.vector_load %arg8[%get3A_1024, %get3A_1025, %get3A_1026] {strides = array<i32>} : memref<3x8x512xf32, #tpu.memory_space<vmem>>, vector<16xf32>,
      %swap3A_1028 = arith.constant 2 : i32
      %swap3A_1029 = arith.constant 3 : i32
      %swap3A_1030 = arith.index_cast %swap3A_1028 : i32 to index
      %swap3A_1031 = arith.index_cast %swap3A_1029 : i32 to index
      %swap3A_1032 = arith.constant 176 : index
      %swap3A_1033 = tpu.vector_load %arg9[%swap3A_1030, %swap3A_1031, %swap3A_1032] {strides = array<i32>} : memref<4x4x512xf32, #tpu.memory_space<vmem>>, vector<16xf32>,
      tpu.vector_store %arg9[%swap3A_1030, %swap3A_1031, %swap3A_1032], %get3A_1027 {strides = array<i32>} : memref<4x4x512xf32, #tpu.memory_space<vmem>>, vector<16xf32>,
      %get3A_1034 = arith.constant 2 : i32
      %get3A_1035 = arith.constant 0 : i32
      %get3A_1036 = arith.index_cast %get3A_1034 : i32 to index
      %get3A_1037 = arith.index_cast %get3A_1035 : i32 to index
      %get3A_1038 = arith.constant 192 : index
      %get3A_1039 = tpu.vector_load %arg8[%get3A_1036, %get3A_1037, %get3A_1038] {strides = array<i32>} : memref<3x8x512xf32, #tpu.memory_space<vmem>>, vector<16xf32>,
      %swap3A_1040 = arith.constant 2 : i32
      %swap3A_1041 = arith.constant 3 : i32
      %swap3A_1042 = arith.index_cast %swap3A_1040 : i32 to index
      %swap3A_1043 = arith.index_cast %swap3A_1041 : i32 to index
      %swap3A_1044 = arith.constant 192 : index
      %swap3A_1045 = tpu.vector_load %arg9[%swap3A_1042, %swap3A_1043, %swap3A_1044] {strides = array<i32>} : memref<4x4x512xf32, #tpu.memory_space<vmem>>, vector<16xf32>,
      tpu.vector_store %arg9[%swap3A_1042, %swap3A_1043, %swap3A_1044], %get3A_1039 {strides = array<i32>} : memref<4x4x512xf32, #tpu.memory_space<vmem>>, vector<16xf32>,
      %get3A_1046 = arith.constant 2 : i32
      %get3A_1047 = arith.constant 0 : i32
      %get3A_1048 = arith.index_cast %get3A_1046 : i32 to index
      %get3A_1049 = arith.index_cast %get3A_1047 : i32 to index
      %get3A_1050 = arith.constant 208 : index
      %get3A_1051 = tpu.vector_load %arg8[%get3A_1048, %get3A_1049, %get3A_1050] {strides = array<i32>} : memref<3x8x512xf32, #tpu.memory_space<vmem>>, vector<16xf32>,
      %swap3A_1052 = arith.constant 2 : i32
      %swap3A_1053 = arith.constant 3 : i32
      %swap3A_1054 = arith.index_cast %swap3A_1052 : i32 to index
      %swap3A_1055 = arith.index_cast %swap3A_1053 : i32 to index
      %swap3A_1056 = arith.constant 208 : index
      %swap3A_1057 = tpu.vector_load %arg9[%swap3A_1054, %swap3A_1055, %swap3A_1056] {strides = array<i32>} : memref<4x4x512xf32, #tpu.memory_space<vmem>>, vector<16xf32>,
      tpu.vector_store %arg9[%swap3A_1054, %swap3A_1055, %swap3A_1056], %get3A_1051 {strides = array<i32>} : memref<4x4x512xf32, #tpu.memory_space<vmem>>, vector<16xf32>,
      %get3A_1058 = arith.constant 2 : i32
      %get3A_1059 = arith.constant 0 : i32
      %get3A_1060 = arith.index_cast %get3A_1058 : i32 to index
      %get3A_1061 = arith.index_cast %get3A_1059 : i32 to index
      %get3A_1062 = arith.constant 224 : index
      %get3A_1063 = tpu.vector_load %arg8[%get3A_1060, %get3A_1061, %get3A_1062] {strides = array<i32>} : memref<3x8x512xf32, #tpu.memory_space<vmem>>, vector<16xf32>,
      %swap3A_1064 = arith.constant 2 : i32
      %swap3A_1065 = arith.constant 3 : i32
      %swap3A_1066 = arith.index_cast %swap3A_1064 : i32 to index
      %swap3A_1067 = arith.index_cast %swap3A_1065 : i32 to index
      %swap3A_1068 = arith.constant 224 : index
      %swap3A_1069 = tpu.vector_load %arg9[%swap3A_1066, %swap3A_1067, %swap3A_1068] {strides = array<i32>} : memref<4x4x512xf32, #tpu.memory_space<vmem>>, vector<16xf32>,
      tpu.vector_store %arg9[%swap3A_1066, %swap3A_1067, %swap3A_1068], %get3A_1063 {strides = array<i32>} : memref<4x4x512xf32, #tpu.memory_space<vmem>>, vector<16xf32>,
      %get3A_1070 = arith.constant 2 : i32
      %get3A_1071 = arith.constant 0 : i32
      %get3A_1072 = arith.index_cast %get3A_1070 : i32 to index
      %get3A_1073 = arith.index_cast %get3A_1071 : i32 to index
      %get3A_1074 = arith.constant 240 : index
      %get3A_1075 = tpu.vector_load %arg8[%get3A_1072, %get3A_1073, %get3A_1074] {strides = array<i32>} : memref<3x8x512xf32, #tpu.memory_space<vmem>>, vector<16xf32>,
      %swap3A_1076 = arith.constant 2 : i32
      %swap3A_1077 = arith.constant 3 : i32
      %swap3A_1078 = arith.index_cast %swap3A_1076 : i32 to index
      %swap3A_1079 = arith.index_cast %swap3A_1077 : i32 to index
      %swap3A_1080 = arith.constant 240 : index
      %swap3A_1081 = tpu.vector_load %arg9[%swap3A_1078, %swap3A_1079, %swap3A_1080] {strides = array<i32>} : memref<4x4x512xf32, #tpu.memory_space<vmem>>, vector<16xf32>,
      tpu.vector_store %arg9[%swap3A_1078, %swap3A_1079, %swap3A_1080], %get3A_1075 {strides = array<i32>} : memref<4x4x512xf32, #tpu.memory_space<vmem>>, vector<16xf32>,
      %get3A_1082 = arith.constant 2 : i32
      %get3A_1083 = arith.constant 0 : i32
      %get3A_1084 = arith.index_cast %get3A_1082 : i32 to index
      %get3A_1085 = arith.index_cast %get3A_1083 : i32 to index
      %get3A_1086 = arith.constant 256 : index
      %get3A_1087 = tpu.vector_load %arg8[%get3A_1084, %get3A_1085, %get3A_1086] {strides = array<i32>} : memref<3x8x512xf32, #tpu.memory_space<vmem>>, vector<16xf32>,
      %swap3A_1088 = arith.constant 2 : i32
      %swap3A_1089 = arith.constant 3 : i32
      %swap3A_1090 = arith.index_cast %swap3A_1088 : i32 to index
      %swap3A_1091 = arith.index_cast %swap3A_1089 : i32 to index
      %swap3A_1092 = arith.constant 256 : index
      %swap3A_1093 = tpu.vector_load %arg9[%swap3A_1090, %swap3A_1091, %swap3A_1092] {strides = array<i32>} : memref<4x4x512xf32, #tpu.memory_space<vmem>>, vector<16xf32>,
      tpu.vector_store %arg9[%swap3A_1090, %swap3A_1091, %swap3A_1092], %get3A_1087 {strides = array<i32>} : memref<4x4x512xf32, #tpu.memory_space<vmem>>, vector<16xf32>,
      %get3A_1094 = arith.constant 2 : i32
      %get3A_1095 = arith.constant 0 : i32
      %get3A_1096 = arith.index_cast %get3A_1094 : i32 to index
      %get3A_1097 = arith.index_cast %get3A_1095 : i32 to index
      %get3A_1098 = arith.constant 272 : index
      %get3A_1099 = tpu.vector_load %arg8[%get3A_1096, %get3A_1097, %get3A_1098] {strides = array<i32>} : memref<3x8x512xf32, #tpu.memory_space<vmem>>, vector<16xf32>,
      %swap3A_1100 = arith.constant 2 : i32
      %swap3A_1101 = arith.constant 3 : i32
      %swap3A_1102 = arith.index_cast %swap3A_1100 : i32 to index
      %swap3A_1103 = arith.index_cast %swap3A_1101 : i32 to index
      %swap3A_1104 = arith.constant 272 : index
      %swap3A_1105 = tpu.vector_load %arg9[%swap3A_1102, %swap3A_1103, %swap3A_1104] {strides = array<i32>} : memref<4x4x512xf32, #tpu.memory_space<vmem>>, vector<16xf32>,
      tpu.vector_store %arg9[%swap3A_1102, %swap3A_1103, %swap3A_1104], %get3A_1099 {strides = array<i32>} : memref<4x4x512xf32, #tpu.memory_space<vmem>>, vector<16xf32>,
      %get3A_1106 = arith.constant 2 : i32
      %get3A_1107 = arith.constant 0 : i32
      %get3A_1108 = arith.index_cast %get3A_1106 : i32 to index
      %get3A_1109 = arith.index_cast %get3A_1107 : i32 to index
      %get3A_1110 = arith.constant 288 : index
      %get3A_1111 = tpu.vector_load %arg8[%get3A_1108, %get3A_1109, %get3A_1110] {strides = array<i32>} : memref<3x8x512xf32, #tpu.memory_space<vmem>>, vector<16xf32>,
      %swap3A_1112 = arith.constant 2 : i32
      %swap3A_1113 = arith.constant 3 : i32
      %swap3A_1114 = arith.index_cast %swap3A_1112 : i32 to index
      %swap3A_1115 = arith.index_cast %swap3A_1113 : i32 to index
      %swap3A_1116 = arith.constant 288 : index
      %swap3A_1117 = tpu.vector_load %arg9[%swap3A_1114, %swap3A_1115, %swap3A_1116] {strides = array<i32>} : memref<4x4x512xf32, #tpu.memory_space<vmem>>, vector<16xf32>,
      tpu.vector_store %arg9[%swap3A_1114, %swap3A_1115, %swap3A_1116], %get3A_1111 {strides = array<i32>} : memref<4x4x512xf32, #tpu.memory_space<vmem>>, vector<16xf32>,
      %get3A_1118 = arith.constant 2 : i32
      %get3A_1119 = arith.constant 0 : i32
      %get3A_1120 = arith.index_cast %get3A_1118 : i32 to index
      %get3A_1121 = arith.index_cast %get3A_1119 : i32 to index
      %get3A_1122 = arith.constant 304 : index
      %get3A_1123 = tpu.vector_load %arg8[%get3A_1120, %get3A_1121, %get3A_1122] {strides = array<i32>} : memref<3x8x512xf32, #tpu.memory_space<vmem>>, vector<16xf32>,
      %swap3A_1124 = arith.constant 2 : i32
      %swap3A_1125 = arith.constant 3 : i32
      %swap3A_1126 = arith.index_cast %swap3A_1124 : i32 to index
      %swap3A_1127 = arith.index_cast %swap3A_1125 : i32 to index
      %swap3A_1128 = arith.constant 304 : index
      %swap3A_1129 = tpu.vector_load %arg9[%swap3A_1126, %swap3A_1127, %swap3A_1128] {strides = array<i32>} : memref<4x4x512xf32, #tpu.memory_space<vmem>>, vector<16xf32>,
      tpu.vector_store %arg9[%swap3A_1126, %swap3A_1127, %swap3A_1128], %get3A_1123 {strides = array<i32>} : memref<4x4x512xf32, #tpu.memory_space<vmem>>, vector<16xf32>,
      %get3A_1130 = arith.constant 2 : i32
      %get3A_1131 = arith.constant 0 : i32
      %get3A_1132 = arith.index_cast %get3A_1130 : i32 to index
      %get3A_1133 = arith.index_cast %get3A_1131 : i32 to index
      %get3A_1134 = arith.constant 320 : index
      %get3A_1135 = tpu.vector_load %arg8[%get3A_1132, %get3A_1133, %get3A_1134] {strides = array<i32>} : memref<3x8x512xf32, #tpu.memory_space<vmem>>, vector<16xf32>,
      %swap3A_1136 = arith.constant 2 : i32
      %swap3A_1137 = arith.constant 3 : i32
      %swap3A_1138 = arith.index_cast %swap3A_1136 : i32 to index
      %swap3A_1139 = arith.index_cast %swap3A_1137 : i32 to index
      %swap3A_1140 = arith.constant 320 : index
      %swap3A_1141 = tpu.vector_load %arg9[%swap3A_1138, %swap3A_1139, %swap3A_1140] {strides = array<i32>} : memref<4x4x512xf32, #tpu.memory_space<vmem>>, vector<16xf32>,
      tpu.vector_store %arg9[%swap3A_1138, %swap3A_1139, %swap3A_1140], %get3A_1135 {strides = array<i32>} : memref<4x4x512xf32, #tpu.memory_space<vmem>>, vector<16xf32>,
      %get3A_1142 = arith.constant 2 : i32
      %get3A_1143 = arith.constant 0 : i32
      %get3A_1144 = arith.index_cast %get3A_1142 : i32 to index
      %get3A_1145 = arith.index_cast %get3A_1143 : i32 to index
      %get3A_1146 = arith.constant 336 : index
      %get3A_1147 = tpu.vector_load %arg8[%get3A_1144, %get3A_1145, %get3A_1146] {strides = array<i32>} : memref<3x8x512xf32, #tpu.memory_space<vmem>>, vector<16xf32>,
      %swap3A_1148 = arith.constant 2 : i32
      %swap3A_1149 = arith.constant 3 : i32
      %swap3A_1150 = arith.index_cast %swap3A_1148 : i32 to index
      %swap3A_1151 = arith.index_cast %swap3A_1149 : i32 to index
      %swap3A_1152 = arith.constant 336 : index
      %swap3A_1153 = tpu.vector_load %arg9[%swap3A_1150, %swap3A_1151, %swap3A_1152] {strides = array<i32>} : memref<4x4x512xf32, #tpu.memory_space<vmem>>, vector<16xf32>,
      tpu.vector_store %arg9[%swap3A_1150, %swap3A_1151, %swap3A_1152], %get3A_1147 {strides = array<i32>} : memref<4x4x512xf32, #tpu.memory_space<vmem>>, vector<16xf32>,
      %get3A_1154 = arith.constant 2 : i32
      %get3A_1155 = arith.constant 0 : i32
      %get3A_1156 = arith.index_cast %get3A_1154 : i32 to index
      %get3A_1157 = arith.index_cast %get3A_1155 : i32 to index
      %get3A_1158 = arith.constant 352 : index
      %get3A_1159 = tpu.vector_load %arg8[%get3A_1156, %get3A_1157, %get3A_1158] {strides = array<i32>} : memref<3x8x512xf32, #tpu.memory_space<vmem>>, vector<16xf32>,
      %swap3A_1160 = arith.constant 2 : i32
      %swap3A_1161 = arith.constant 3 : i32
      %swap3A_1162 = arith.index_cast %swap3A_1160 : i32 to index
      %swap3A_1163 = arith.index_cast %swap3A_1161 : i32 to index
      %swap3A_1164 = arith.constant 352 : index
      %swap3A_1165 = tpu.vector_load %arg9[%swap3A_1162, %swap3A_1163, %swap3A_1164] {strides = array<i32>} : memref<4x4x512xf32, #tpu.memory_space<vmem>>, vector<16xf32>,
      tpu.vector_store %arg9[%swap3A_1162, %swap3A_1163, %swap3A_1164], %get3A_1159 {strides = array<i32>} : memref<4x4x512xf32, #tpu.memory_space<vmem>>, vector<16xf32>,
      %get3A_1166 = arith.constant 2 : i32
      %get3A_1167 = arith.constant 0 : i32
      %get3A_1168 = arith.index_cast %get3A_1166 : i32 to index
      %get3A_1169 = arith.index_cast %get3A_1167 : i32 to index
      %get3A_1170 = arith.constant 368 : index
      %get3A_1171 = tpu.vector_load %arg8[%get3A_1168, %get3A_1169, %get3A_1170] {strides = array<i32>} : memref<3x8x512xf32, #tpu.memory_space<vmem>>, vector<16xf32>,
      %swap3A_1172 = arith.constant 2 : i32
      %swap3A_1173 = arith.constant 3 : i32
      %swap3A_1174 = arith.index_cast %swap3A_1172 : i32 to index
      %swap3A_1175 = arith.index_cast %swap3A_1173 : i32 to index
      %swap3A_1176 = arith.constant 368 : index
      %swap3A_1177 = tpu.vector_load %arg9[%swap3A_1174, %swap3A_1175, %swap3A_1176] {strides = array<i32>} : memref<4x4x512xf32, #tpu.memory_space<vmem>>, vector<16xf32>,
      tpu.vector_store %arg9[%swap3A_1174, %swap3A_1175, %swap3A_1176], %get3A_1171 {strides = array<i32>} : memref<4x4x512xf32, #tpu.memory_space<vmem>>, vector<16xf32>,
      %get3A_1178 = arith.constant 2 : i32
      %get3A_1179 = arith.constant 0 : i32
      %get3A_1180 = arith.index_cast %get3A_1178 : i32 to index
      %get3A_1181 = arith.index_cast %get3A_1179 : i32 to index
      %get3A_1182 = arith.constant 384 : index
      %get3A_1183 = tpu.vector_load %arg8[%get3A_1180, %get3A_1181, %get3A_1182] {strides = array<i32>} : memref<3x8x512xf32, #tpu.memory_space<vmem>>, vector<16xf32>,
      %swap3A_1184 = arith.constant 2 : i32
      %swap3A_1185 = arith.constant 3 : i32
      %swap3A_1186 = arith.index_cast %swap3A_1184 : i32 to index
      %swap3A_1187 = arith.index_cast %swap3A_1185 : i32 to index
      %swap3A_1188 = arith.constant 384 : index
      %swap3A_1189 = tpu.vector_load %arg9[%swap3A_1186, %swap3A_1187, %swap3A_1188] {strides = array<i32>} : memref<4x4x512xf32, #tpu.memory_space<vmem>>, vector<16xf32>,
      tpu.vector_store %arg9[%swap3A_1186, %swap3A_1187, %swap3A_1188], %get3A_1183 {strides = array<i32>} : memref<4x4x512xf32, #tpu.memory_space<vmem>>, vector<16xf32>,
      %get3A_1190 = arith.constant 2 : i32
      %get3A_1191 = arith.constant 0 : i32
      %get3A_1192 = arith.index_cast %get3A_1190 : i32 to index
      %get3A_1193 = arith.index_cast %get3A_1191 : i32 to index
      %get3A_1194 = arith.constant 400 : index
      %get3A_1195 = tpu.vector_load %arg8[%get3A_1192, %get3A_1193, %get3A_1194] {strides = array<i32>} : memref<3x8x512xf32, #tpu.memory_space<vmem>>, vector<16xf32>,
      %swap3A_1196 = arith.constant 2 : i32
      %swap3A_1197 = arith.constant 3 : i32
      %swap3A_1198 = arith.index_cast %swap3A_1196 : i32 to index
      %swap3A_1199 = arith.index_cast %swap3A_1197 : i32 to index
      %swap3A_1200 = arith.constant 400 : index
      %swap3A_1201 = tpu.vector_load %arg9[%swap3A_1198, %swap3A_1199, %swap3A_1200] {strides = array<i32>} : memref<4x4x512xf32, #tpu.memory_space<vmem>>, vector<16xf32>,
      tpu.vector_store %arg9[%swap3A_1198, %swap3A_1199, %swap3A_1200], %get3A_1195 {strides = array<i32>} : memref<4x4x512xf32, #tpu.memory_space<vmem>>, vector<16xf32>,
      %get3A_1202 = arith.constant 2 : i32
      %get3A_1203 = arith.constant 0 : i32
      %get3A_1204 = arith.index_cast %get3A_1202 : i32 to index
      %get3A_1205 = arith.index_cast %get3A_1203 : i32 to index
      %get3A_1206 = arith.constant 416 : index
      %get3A_1207 = tpu.vector_load %arg8[%get3A_1204, %get3A_1205, %get3A_1206] {strides = array<i32>} : memref<3x8x512xf32, #tpu.memory_space<vmem>>, vector<16xf32>,
      %swap3A_1208 = arith.constant 2 : i32
      %swap3A_1209 = arith.constant 3 : i32
      %swap3A_1210 = arith.index_cast %swap3A_1208 : i32 to index
      %swap3A_1211 = arith.index_cast %swap3A_1209 : i32 to index
      %swap3A_1212 = arith.constant 416 : index
      %swap3A_1213 = tpu.vector_load %arg9[%swap3A_1210, %swap3A_1211, %swap3A_1212] {strides = array<i32>} : memref<4x4x512xf32, #tpu.memory_space<vmem>>, vector<16xf32>,
      tpu.vector_store %arg9[%swap3A_1210, %swap3A_1211, %swap3A_1212], %get3A_1207 {strides = array<i32>} : memref<4x4x512xf32, #tpu.memory_space<vmem>>, vector<16xf32>,
      %get3A_1214 = arith.constant 2 : i32
      %get3A_1215 = arith.constant 0 : i32
      %get3A_1216 = arith.index_cast %get3A_1214 : i32 to index
      %get3A_1217 = arith.index_cast %get3A_1215 : i32 to index
      %get3A_1218 = arith.constant 432 : index
      %get3A_1219 = tpu.vector_load %arg8[%get3A_1216, %get3A_1217, %get3A_1218] {strides = array<i32>} : memref<3x8x512xf32, #tpu.memory_space<vmem>>, vector<16xf32>,
      %swap3A_1220 = arith.constant 2 : i32
      %swap3A_1221 = arith.constant 3 : i32
      %swap3A_1222 = arith.index_cast %swap3A_1220 : i32 to index
      %swap3A_1223 = arith.index_cast %swap3A_1221 : i32 to index
      %swap3A_1224 = arith.constant 432 : index
      %swap3A_1225 = tpu.vector_load %arg9[%swap3A_1222, %swap3A_1223, %swap3A_1224] {strides = array<i32>} : memref<4x4x512xf32, #tpu.memory_space<vmem>>, vector<16xf32>,
      tpu.vector_store %arg9[%swap3A_1222, %swap3A_1223, %swap3A_1224], %get3A_1219 {strides = array<i32>} : memref<4x4x512xf32, #tpu.memory_space<vmem>>, vector<16xf32>,
      %get3A_1226 = arith.constant 2 : i32
      %get3A_1227 = arith.constant 0 : i32
      %get3A_1228 = arith.index_cast %get3A_1226 : i32 to index
      %get3A_1229 = arith.index_cast %get3A_1227 : i32 to index
      %get3A_1230 = arith.constant 448 : index
      %get3A_1231 = tpu.vector_load %arg8[%get3A_1228, %get3A_1229, %get3A_1230] {strides = array<i32>} : memref<3x8x512xf32, #tpu.memory_space<vmem>>, vector<16xf32>,
      %swap3A_1232 = arith.constant 2 : i32
      %swap3A_1233 = arith.constant 3 : i32
      %swap3A_1234 = arith.index_cast %swap3A_1232 : i32 to index
      %swap3A_1235 = arith.index_cast %swap3A_1233 : i32 to index
      %swap3A_1236 = arith.constant 448 : index
      %swap3A_1237 = tpu.vector_load %arg9[%swap3A_1234, %swap3A_1235, %swap3A_1236] {strides = array<i32>} : memref<4x4x512xf32, #tpu.memory_space<vmem>>, vector<16xf32>,
      tpu.vector_store %arg9[%swap3A_1234, %swap3A_1235, %swap3A_1236], %get3A_1231 {strides = array<i32>} : memref<4x4x512xf32, #tpu.memory_space<vmem>>, vector<16xf32>,
      %get3A_1238 = arith.constant 2 : i32
      %get3A_1239 = arith.constant 0 : i32
      %get3A_1240 = arith.index_cast %get3A_1238 : i32 to index
      %get3A_1241 = arith.index_cast %get3A_1239 : i32 to index
      %get3A_1242 = arith.constant 464 : index
      %get3A_1243 = tpu.vector_load %arg8[%get3A_1240, %get3A_1241, %get3A_1242] {strides = array<i32>} : memref<3x8x512xf32, #tpu.memory_space<vmem>>, vector<16xf32>,
      %swap3A_1244 = arith.constant 2 : i32
      %swap3A_1245 = arith.constant 3 : i32
      %swap3A_1246 = arith.index_cast %swap3A_1244 : i32 to index
      %swap3A_1247 = arith.index_cast %swap3A_1245 : i32 to index
      %swap3A_1248 = arith.constant 464 : index
      %swap3A_1249 = tpu.vector_load %arg9[%swap3A_1246, %swap3A_1247, %swap3A_1248] {strides = array<i32>} : memref<4x4x512xf32, #tpu.memory_space<vmem>>, vector<16xf32>,
      tpu.vector_store %arg9[%swap3A_1246, %swap3A_1247, %swap3A_1248], %get3A_1243 {strides = array<i32>} : memref<4x4x512xf32, #tpu.memory_space<vmem>>, vector<16xf32>,
      %get3A_1250 = arith.constant 2 : i32
      %get3A_1251 = arith.constant 0 : i32
      %get3A_1252 = arith.index_cast %get3A_1250 : i32 to index
      %get3A_1253 = arith.index_cast %get3A_1251 : i32 to index
      %get3A_1254 = arith.constant 480 : index
      %get3A_1255 = tpu.vector_load %arg8[%get3A_1252, %get3A_1253, %get3A_1254] {strides = array<i32>} : memref<3x8x512xf32, #tpu.memory_space<vmem>>, vector<16xf32>,
      %swap3A_1256 = arith.constant 2 : i32
      %swap3A_1257 = arith.constant 3 : i32
      %swap3A_1258 = arith.index_cast %swap3A_1256 : i32 to index
      %swap3A_1259 = arith.index_cast %swap3A_1257 : i32 to index
      %swap3A_1260 = arith.constant 480 : index
      %swap3A_1261 = tpu.vector_load %arg9[%swap3A_1258, %swap3A_1259, %swap3A_1260] {strides = array<i32>} : memref<4x4x512xf32, #tpu.memory_space<vmem>>, vector<16xf32>,
      tpu.vector_store %arg9[%swap3A_1258, %swap3A_1259, %swap3A_1260], %get3A_1255 {strides = array<i32>} : memref<4x4x512xf32, #tpu.memory_space<vmem>>, vector<16xf32>,
      %get3A_1262 = arith.constant 2 : i32
      %get3A_1263 = arith.constant 0 : i32
      %get3A_1264 = arith.index_cast %get3A_1262 : i32 to index
      %get3A_1265 = arith.index_cast %get3A_1263 : i32 to index
      %get3A_1266 = arith.constant 496 : index
      %get3A_1267 = tpu.vector_load %arg8[%get3A_1264, %get3A_1265, %get3A_1266] {strides = array<i32>} : memref<3x8x512xf32, #tpu.memory_space<vmem>>, vector<16xf32>,
      %swap3A_1268 = arith.constant 2 : i32
      %swap3A_1269 = arith.constant 3 : i32
      %swap3A_1270 = arith.index_cast %swap3A_1268 : i32 to index
      %swap3A_1271 = arith.index_cast %swap3A_1269 : i32 to index
      %swap3A_1272 = arith.constant 496 : index
      %swap3A_1273 = tpu.vector_load %arg9[%swap3A_1270, %swap3A_1271, %swap3A_1272] {strides = array<i32>} : memref<4x4x512xf32, #tpu.memory_space<vmem>>, vector<16xf32>,
      tpu.vector_store %arg9[%swap3A_1270, %swap3A_1271, %swap3A_1272], %get3A_1267 {strides = array<i32>} : memref<4x4x512xf32, #tpu.memory_space<vmem>>, vector<16xf32>,
      %add3A_1274 = arith.constant 55 : i32
      %add3A_1275 = arith.addi %add3A_1274, %add3A : i32
      "tpu.region"() ({
        %run_scoped3A = tpu.sem_alloc : memref<!tpu.dma_semaphore, #tpu.memory_space<semaphore_mem>>
        %dma_start3A_1276 = arith.constant 0 : i32
        %dma_start3A_1277 = arith.constant 0 : i32
        %dma_start3A_1278 = arith.constant 0 : i32
        %dma_start3A_1279 = tpu.memref_slice %arg6[%add3A_1275, %dma_start3A_1276, %dma_start3A_1277, %dma_start3A_1278] : memref<76x4x4x512xf32, #tpu.memory_space<hbm>> -> memref<1x4x4x512xf32, #tpu.memory_space<hbm>>
        %dma_start3A_1280 = tpu.memref_squeeze %dma_start3A_1279 : memref<1x4x4x512xf32, #tpu.memory_space<hbm>> -> memref<4x4x512xf32, #tpu.memory_space<hbm>>
        %dma_start3A_1281 = arith.constant 0 : i32
        %dma_start3A_1282 = arith.constant 0 : i32
        %dma_start3A_1283 = arith.constant 0 : i32
        %dma_start3A_1284 = tpu.memref_slice %arg6[%add3A_1275, %dma_start3A_1281, %dma_start3A_1282, %dma_start3A_1283] : memref<76x4x4x512xf32, #tpu.memory_space<hbm>> -> memref<1x4x4x512xf32, #tpu.memory_space<hbm>>
        %dma_start3A_1285 = tpu.memref_squeeze %dma_start3A_1284 : memref<1x4x4x512xf32, #tpu.memory_space<hbm>> -> memref<4x4x512xf32, #tpu.memory_space<hbm>>
        tpu.enqueue_dma source(%arg9 : memref<4x4x512xf32, #tpu.memory_space<vmem>>) target(%dma_start3A_1285 : memref<4x4x512xf32, #tpu.memory_space<hbm>>) target_semaphore(%run_scoped3A : memref<!tpu.dma_semaphore, #tpu.memory_space<semaphore_mem>>)
        %dma_wait3A_1286 = arith.constant 0 : i32
        %dma_wait3A_1287 = arith.constant 0 : i32
        %dma_wait3A_1288 = arith.constant 0 : i32
        %dma_wait3A_1289 = tpu.memref_slice %arg6[%add3A_1275, %dma_wait3A_1286, %dma_wait3A_1287, %dma_wait3A_1288] : memref<76x4x4x512xf32, #tpu.memory_space<hbm>> -> memref<1x4x4x512xf32, #tpu.memory_space<hbm>>
        %dma_wait3A_1290 = tpu.memref_squeeze %dma_wait3A_1289 : memref<1x4x4x512xf32, #tpu.memory_space<hbm>> -> memref<4x4x512xf32, #tpu.memory_space<hbm>>
        %dma_wait3A_1291 = arith.constant 0 : i32
        %dma_wait3A_1292 = arith.constant 0 : i32
        %dma_wait3A_1293 = arith.constant 0 : i32
        %dma_wait3A_1294 = tpu.memref_slice %arg6[%add3A_1275, %dma_wait3A_1291, %dma_wait3A_1292, %dma_wait3A_1293] : memref<76x4x4x512xf32, #tpu.memory_space<hbm>> -> memref<1x4x4x512xf32, #tpu.memory_space<hbm>>
        %dma_wait3A_1295 = tpu.memref_squeeze %dma_wait3A_1294 : memref<1x4x4x512xf32, #tpu.memory_space<hbm>> -> memref<4x4x512xf32, #tpu.memory_space<hbm>>
        tpu.wait_dma2 semaphore(%run_scoped3A : memref<!tpu.dma_semaphore, #tpu.memory_space<semaphore_mem>>) src(%arg9 : memref<4x4x512xf32, #tpu.memory_space<vmem>>) dst(%dma_wait3A_1295 : memref<4x4x512xf32, #tpu.memory_space<hbm>>)
        tpu.yield
      }) : () -> ()
    } else {
    }
    return
  }
}

</mosaic_0001>

<sc_bundles>
// kernel: kernel.3.cloned.1.call-start
scs
__scs_entry_jumppad:
0x0: {  	(pc) =	sbr.rel $0x88, $3  }
0x1: {  	(tag) =	ssettag $0x0;
	lr =	simm.s32 $0x1  }
0x2: {  	[smem:$0x3F9D] =	sst lr;
	_ =	strace $0xD0000000  }
0x3: {  	_ = 	snop  }
0x4: {  	_ = 	snop  }
0x5: {  	_ = 	snop  }
0x6: {  	_ = 	snop  }
0x7: {  	_ = 	snop  }
__scs_overlays_trampoline_lowered:
0x8: {  	[smem:$0x3FAC] =	sst s0  }
0x9: {  	[smem:$0x3FAD] =	sst s1  }
0xa: {  	[smem:$0x3FAE] =	sst s2  }
0xb: {  	[smem:$0x3FAF] =	sst s3  }
0xc: {  	[smem:$0x3FB0] =	sst s4  }
0xd: {  	[smem:$0x3FB1] =	sst s5  }
0xe: {  	[smem:$0x3FB2] =	sst s6  }
0xf: {  	[smem:$0x3FB3] =	sst s7  }
0x10: {  	[smem:$0x3FB4] =	sst s8  }
0x11: {  	[smem:$0x3FB5] =	sst s9;
	s0 =	simm.s32 @!p0 $0x0  }
0x12: {  	s1 =	sld [smem:$0x3F9B];
	s0 =	simm.s32 @p0 $0x1  }
0x13: {  	[smem:$0x3FB6] =	sst s0;
	s0 =	simm.s32 @!p1 $0x0  }
0x14: {  	s2 =	sld [smem:$0x3F9A];
	s0 =	simm.s32 @p1 $0x1  }
0x15: {  	[smem:$0x3FB7] =	sst s0;
	s0 =	simm.s32 @!p2 $0x0  }
0x16: {  	s3 =	sld [smem:$0x3FDB];
	s0 =	simm.s32 @p2 $0x1  }
0x17: {  	s4 =	simm.s32 $0x1BF5;
	[smem:$0x3FB9] =	sst s0  }
0x18: {  	s0 =	sld [smem:$0x3F9C];
	_ =	swait.ge [sflag:s4], $0x0  }
0x19: {  	s7 =	sld [smem:$0x3F9D]  }
0x1a: {  	s8 =	sadd.s32 $0xFFFFE003, lr  }
0x1b: {  	s9 =	sadd.s32 $0xFFFFFEF7, lr;
	s5 =	simm.s32 $0xFFFFFFFF;
	p2 =	slt.u32 s8, $0xFFFFF086  }
0x1c: {  	p1 =	slt.u32 s9, $0xF7A;
	s5 =	simm.s32 @!p2 $0x0  }
0x1d: {  	s5 =	simm.s32 @p1 $0x1;
	p0 =	seq.s32 s7, s2  }
0x1e: {  	s7 =	smul.u32 @!p0 $0xF7A, s2;
	p2 =	seq.s32 @!p0 s5, $0x0  }
0x1f: {  	s9 =	smul.u32 $0xF7A, s1;
	s8 =	simm.s32 @!p0 $0x1BF5;
	p2 =	por !p2, p0  }
0x20: {  	[sflag:s8] =	ssyncset.s32 @!p0 $0xFFFFF086;
	s6 =	sadd.s32 @!p0 s3, s7;
	s7 =	simm.s32 @!p0 $0x108  }
0x21: {  	s3 =	sadd.s32 s3, s9;
	s6 =	sadd.s32 @!p0 $0x88, s6;
	s7 =	simm.s32 @p2 $0x1082  }
0x22: {  	[simem:s7], [sflag:s8] =	dma.local @!p0 [hbm:s6], $0xF7A  }
0x23: {  	s9 =	sor.u32 $0xD0000000, s2;
	s6 =	simm.s32 $0x108;
	_ =	swait.ge @!p0 [sflag:s8], $0x0  }
0x24: {  	s3 =	sadd.s32 $0x88, s3;
	s6 =	simm.s32 @!p1 $0x1082;
	[sflag:s4] =	ssyncset.s32 $0xFFFFF086  }
0x25: {  	[simem:s6], [sflag:s4] =	dma.local [hbm:s3], $0xF7A  }
0x26: {  	[smem:$0x3F9D] =	sst s1;
	(tag) =	ssettag s2;
	_ =	strace s9  }
0x27: {  	s1 =	sld [smem:$0x3FAD]  }
0x28: {  	s2 =	sld [smem:$0x3FAE]  }
0x29: {  	s4 =	sld [smem:$0x3FB0]  }
0x2a: {  	p0 =	seq.s32 s5, $0x0;
	s5 =	sld [smem:$0x3FB1]  }
0x2b: {  	s6 =	sld [smem:$0x3FB2]  }
0x2c: {  	s7 =	sld [smem:$0x3FB3]  }
0x2d: {  	s3 =	simm.s32 $0x108;
	s8 =	sld [smem:$0x3FB4]  }
0x2e: {  	s3 =	simm.s32 @!p0 $0x1082;
	s9 =	sld [smem:$0x3FB5]  }
0x2f: {  	lr =	sadd.s32 s0, s3;
	s0 =	sld [smem:$0x3FAC]  }
0x30: {  	s3 =	sld [smem:$0x3FAF]  }
0x31: {  	[smem:$0x3FB8] =	sst s10  }
0x32: {  	s10 =	sld [smem:$0x3FB6];
	_ =	sdelay $0x3  }
0x33: {  	p0 =	seq.s32 s10, $0x1;
	s10 =	sld [smem:$0x3FB8];
	_ =	sdelay $0x3  }
0x34: {  	[smem:$0x3FB8] =	sst s10  }
0x35: {  	s10 =	sld [smem:$0x3FB7];
	_ =	sdelay $0x3  }
0x36: {  	p1 =	seq.s32 s10, $0x1;
	s10 =	sld [smem:$0x3FB8];
	_ =	sdelay $0x3  }
0x37: {  	[smem:$0x3FB8] =	sst s10  }
0x38: {  	s10 =	sld [smem:$0x3FB9]  }
0x39: {  	_ = 	snop;
	(pc) =	sbr.ind lr, $3  }
0x3a: {  	_ = 	snop  }
0x3b: {  	_ = 	snop  }
0x3c: {  	p2 =	seq.s32 s10, $0x1;
	s10 =	sld [smem:$0x3FB8]  }
0x3d: {  	_ =	shalt  }
0x3e: {  	_ =	shalt  }
0x3f: {  	_ =	shalt  }
0x40: {  	_ =	shalt  }
0x41: {  	_ =	shalt  }
0x42: {  	_ =	shalt  }
0x43: {  	_ =	shalt  }
0x44: {  	_ =	shalt  }
0x45: {  	_ =	shalt  }
0x46: {  	_ =	shalt  }
0x47: {  	_ =	shalt  }
0x48: {  	_ =	shalt  }
0x49: {  	_ =	shalt  }
0x4a: {  	_ =	shalt  }
0x4b: {  	_ =	shalt  }
0x4c: {  	_ =	shalt  }
0x4d: {  	_ =	shalt  }
0x4e: {  	_ =	shalt  }
0x4f: {  	_ =	shalt  }
0x50: {  	_ =	shalt  }
0x51: {  	_ =	shalt  }
0x52: {  	_ =	shalt  }
0x53: {  	_ =	shalt  }
0x54: {  	_ =	shalt  }
0x55: {  	_ =	shalt  }
0x56: {  	_ =	shalt  }
0x57: {  	_ =	shalt  }
0x58: {  	_ =	shalt  }
0x59: {  	_ =	shalt  }
0x5a: {  	_ =	shalt  }
0x5b: {  	_ =	shalt  }
0x5c: {  	_ =	shalt  }
0x5d: {  	_ =	shalt  }
0x5e: {  	_ =	shalt  }
0x5f: {  	_ =	shalt  }
0x60: {  	_ =	shalt  }
0x61: {  	_ =	shalt  }
0x62: {  	_ =	shalt  }
0x63: {  	_ =	shalt  }
0x64: {  	_ =	shalt  }
0x65: {  	_ =	shalt  }
0x66: {  	_ =	shalt  }
0x67: {  	_ =	shalt  }
0x68: {  	_ =	shalt  }
0x69: {  	_ =	shalt  }
0x6a: {  	_ =	shalt  }
0x6b: {  	_ =	shalt  }
0x6c: {  	_ =	shalt  }
0x6d: {  	_ =	shalt  }
0x6e: {  	_ =	shalt  }
0x6f: {  	_ =	shalt  }
0x70: {  	_ =	shalt  }
0x71: {  	_ =	shalt  }
0x72: {  	_ =	shalt  }
0x73: {  	_ =	shalt  }
0x74: {  	_ =	shalt  }
0x75: {  	_ =	shalt  }
0x76: {  	_ =	shalt  }
0x77: {  	_ =	shalt  }
0x78: {  	_ =	shalt  }
0x79: {  	_ =	shalt  }
0x7a: {  	_ =	shalt  }
0x7b: {  	_ =	shalt  }
0x7c: {  	_ =	shalt  }
0x7d: {  	_ =	shalt  }
0x7e: {  	_ =	shalt  }
0x7f: {  	_ =	shalt  }
0x80: {  	_ =	shalt  }
0x81: {  	_ =	shalt  }
0x82: {  	_ =	shalt  }
0x83: {  	_ =	shalt  }
0x84: {  	_ =	shalt  }
0x85: {  	_ =	shalt  }
0x86: {  	_ =	shalt  }
0x87: {  	_ =	shalt  }
.Lfunc_end0:
.L_simem_size_0:
called_computation_lowered:
.L_overlay_start_0:
0x88: {  	s2 =	sld [smem:$0x3FD9]  }
0x89: {  	s3 =	sld [smem:$0x3FFE];
	_ =	sdelay $0x1  }
0x8a: {  	s1 =	srdreg.scid  }
0x8b: {  	s0 =	sand.u32 $0x1, s1  }
0x8c: {  	s17 =	sshll.u32 s0, $0xA;
	s2 =	sadd.s32 s3, s2  }
0x8d: {  	s2 =	sadd.s32 s2, s17  }
0x8e: {  	[smem:$0x3FC4] =	sst s2  }
0x8f: {  	_ = 	snop  }
0x90: {  	s2 =	sld [smem:$0x3FC9]  }
0x91: {  	s18 =	sld [smem:$0x3FC8]  }
0x92: {  	s4 =	sld [smem:$0x3FC7]  }
0x93: {  	s5 =	sld [smem:$0x3FD0];
	(tm) =	ssettm $0x1  }
0x94: {  	s6 =	sld [smem:$0x3FFB];
	_ =	sdelay $0x3  }
0x95: {  	_ =	strace s6  }
0x96: {  	s6 =	sld [smem:$0x3FFC];
	_ =	sdelay $0x3  }
0x97: {  	_ =	strace s6  }
0x98: {  	s6 =	sld [smem:$0x3FFD];
	_ =	sdelay $0x3  }
0x99: {  	_ =	strace s6  }
0x9a: {  	_ =	strace $0x8FFFFFFF  }
0x9b: {  	s19 =	sld [smem:$0x3FDB];
	_ =	sdelay $0x1  }
0x9c: {  	s7 =	simm.s32 $_scs_section_size  }
0x9d: {  	s8 =	simm.s32 $_size__tile_overlayer_lowered;
	s9 =	simm.s32 $_tile_overlayer_lowered  }
0x9e: {  	s22 =	simm.s32 $0x1BFF;
	s21 =	sshll.u32 s9, $0x1;
	s6 =	sadd.s32 s7, s19  }
0x9f: {  	s10 =	simm.s32 $0x0;
	s20 =	sshll.u32 s8, $0x1;
	s8 =	sadd.s32 s21, s6  }
0xa0: {  	[timem:s10], [sflag:s22] =	dma.local [hbm:s8], s20  }
0xa1: {  	_ =	swait.ge [sflag:s22], s20  }
0xa2: {  	s7 =	ssub.s32 $0x0, s20;
	[sflag:s22] =	ssyncset.done $0x0  }
0xa3: {  	[sflag:s22] =	ssyncadd.s32 s7;
	_ =	sdelay $0x1  }
0xa4: {  	s23 =	simm.s32 $0x1B8B  }
0xa5: {  	_ =	swait.ge [sflag:s23], $0x1  }
0xa6: {  	[sflag:s23] =	ssyncset.done $0x0  }
0xa7: {  	s25 =	simm.s32 $0x1B8E;
	s24 =	sld [smem:$0x3FFE];
	[sflag:s23] =	ssyncadd.s32 $0xFFFFFFFF  }
0xa8: {  	s26 =	simm.s32 $execute0_lowered;
	[smem:$0x3FD2] =	sst s25  }
0xa9: {  	s8 =	sshll.u32 s26, $0x1;
	_ =	strace $0x80000046;
	[dreg:$0x1] =	wrdreg $0xFFFFFFFF  }
0xaa: {  	s28 =	simm.s32 $_size_execute0_lowered;
	s6 =	sadd.s32 s6, s8;
	[dreg:$0x0] =	wrdreg $0x0  }
0xab: {  	s8 =	sshll.u32 s28, $0x1;
	[dreg:$0x2] =	wrdreg s6  }
0xac: {  	[dreg:$0x3] =	wrdreg s8  }
0xad: {  	[dreg:$0x4] =	wrdreg $0xC0  }
0xae: {  	_ =	task [dreg:s10], $0x5FFFF  }
0xaf: {  	[dreg:$0x1] =	wrdreg $0xFFFFFFFF  }
0xb0: {  	[dreg:$0x0] =	wrdreg $0x60  }
0xb1: {  	[dreg:$0x2] =	wrdreg s2  }
0xb2: {  	[dreg:$0x3] =	wrdreg s4  }
0xb3: {  	[dreg:$0x4] =	wrdreg s18  }
0xb4: {  	[dreg:$0x5] =	wrdreg s24  }
0xb5: {  	[dreg:$0x6] =	wrdreg s5  }
0xb6: {  	[dreg:$0x7] =	wrdreg $0x9  }
0xb7: {  	_ =	task.clear_ibuf [dreg:s10], $0x8FFFF;
	_ =	strace $0x90000046  }
0xb8: {  	s29 =	simm.s32 $0x9;
	_ =	strace $0x80000048  }
0xb9: {  	_ =	swait.ge [sflag:s29], $0x1  }
0xba: {  	[sflag:s29] =	ssyncadd.s32 $0xFFFFFFFF  }
0xbb: {  	_ =	strace $0x90000048  }
0xbc: {  	_ =	sfence  }
0xbd: {  	s30 =	sld [smem:$0x0];
	_ =	sdelay $0x2  }
0xbe: {  	s31 =	sshll.u32 s1, $0xD;
	s1 =	sshrl.u32 s1, $0x2  }
0xbf: {  	s3 =	sand.u32 $0x4000, s31;
	s1 =	sadd.s32 s1, s30  }
0xc0: {  	s0 =	sor.u32 s3, s0;
	s1 =	sshll.u32 s1, $0x11  }
0xc1: {  	s0 =	sor.u32 s1, s0  }
0xc2: {  	s0 =	sadd.s32 $0x8F2B, s0  }
0xc3: {  	[sflag:s0] =	ssyncadd.remote.s32 $0x1  }
0xc4: {  	_ =	sfence.sel $0xFFFF  }
0xc5: {  	[dreg:$0x0] =	wrdreg $0xFFFFFFFF;
	(pc) =	sbr.abs _section_cstart, $3  }
0xc6: {  	[dreg:$0x1] =	wrdreg $0xFFFFFFFF  }
0xc7: {  	_ =	task.clear_ibuf [dreg:s10], $0x2FFFF;
	_ =	strace $0x9FFFFFFF  }
0xc8: {  	(tm) =	ssettm $0x7FFFFFFF  }
0xc9: {  	_ =	shalt  }
tec
execute0_lowered:
.L_overlay_start_1:
0x0: {  	(tag) =	ssettag $0x1  }
0x1: {  	s0 =	rddreg [dreg:$0x0]  }
0x2: {  	s2 =	rddreg [dreg:$0x1]  }
0x3: {  	s12 =	rddreg [dreg:$0x2]  }
0x4: {  	s5 =	rddreg [dreg:$0x3]  }
0x5: {  	s3 =	srdreg.scid;
	s1 =	stileid.u32  }
0x6: {  	s13 =	rddreg [dreg:$0x4];
	s4 =	simm.s32 $0x0;
	s18 =	simm.s32 $0x3C00  }
0x7: {  	s19 =	simm.s32 $0xC00;
	s20 =	simm.s32 $0x1400;
	s21 =	simm.s32 $0x1C00  }
0x8: {  	s23 =	simm.s32 $0x2400;
	s24 =	simm.s32 $0x2C00;
	s26 =	simm.s32 $0x3400  }
0x9: {  	s6 =	sand.u32 $0x1, s3;
	s7 =	sshll.u32 s1, $0x1;
	s3 =	rddreg [dreg:$0x5]  }
0xa: {  	[smem:$0x7FF] =	sst s4;
	s15 =	sor.u32 s6, s7;
	s6 =	ssub.s32 $0x2, s6  }
0xb: {  	_ =	strace $0x80000047;
	s7 =	sshll.u32 s15, $0x4;
	s8 =	sshrl.u32 s6, $0x1  }
0xc: {  	s9 =	smul.u32 $0xA000, s15;
	s10 =	sshll.u32 s15, $0xA;
	p0 =	slt.u32 s15, $0x15  }
0xd: {  	s7 =	sadd.s32 s7, s5;
	s5 =	sshll.u32 s15, $0x7;
	s14 =	ssub.s32 s6, s8  }
0xe: {  	s8 =	sadd.s32 $0x100, s0;
	s16 =	sadd.s32 s10, s13;
	s10 =	sadd.s32 $0x147800, s0  }
.Ltmp0:
0xf: {  	s15 =	simm.s32 $0x5C00;
	s6 =	sadd.s32 $0x400, s7;
	(pc) =	sbr.rel .LBB2_1-.Ltmp0, $4  }
0x10: {  	s7 =	sor.u32 $0x10, s5;
	s11 =	sadd.s32 $0xFFF2E000, s9;
	s9 =	sadd.s32 $0xA3C00, s0  }
0x11: {  	v0 =	vlaneseq.u32;
	s14 =	smax.u32 s14, $0x1;
	s25 =	sadd.s32 $0x100, s10;
	s17 =	sshrl.u32 s11, $0x3  }
0x12: {  	v1 =	vshrl.u32 v0, $0x3;
	s11 =	sadd.s32 $0xDC00, s16;
	s16 =	simm.s32 $0x1;
	s22 =	sadd.s32 $0x100, s9  }
0x13: {  	vm0 =	vmmov $0xffff;
	v0 =	vand.u32 $0x7, v0;
	v1 =	vmul.u32 $0x8, v1;
	s12 =	sadd.s32 s12, s17;
	s13 =	sadd.s32 s13, s17;
	s17 =	simm.s32 $0x2  }
.LBB2_3:
0x14: {  	[tilespmem:s5], [sflag:$0x2] =	stream.linear.gather [hbm4b:s6+s4], $0x80, $0x38;
	[tilespmem:$0xFC00] =	vst v63  }
0x15: {  	_ =	swait.ge [sflag:s17], $0x80  }
0x16: {  	[sflag:s17] =	ssyncset.done $0x0  }
0x17: {  	[sflag:s17] =	ssyncadd.s32 $0xFFFFFF80  }
0x18: {  	v2 =	vld [tilespmem:s5+$0x0];
	_ =	sdelay $0x4  }
0x19: {  	(v2sf) =	vpush v2, $0x0;
	_ =	sdelay $0xe  }
0x1a: {  	s28 =	spop (v2sf)  }
0x1b: {  	s28 =	sshll.u32 s28, $0xA  }
0x1c: {  	s28 =	sand.u32 $0x1FFFFC00, s28  }
0x1d: {  	s28 =	sadd.s32 s2, s28  }
0x1e: {  	[tilespmem:s18], [sflag:$0x1] =	stream.linear.gather [hbm4b:s28+s4], $0x2000, $0x38;
	[tilespmem:$0xFC00] =	vst v63  }
0x1f: {  	v2 =	vld.msk [tilespmem:s7+$0x0], $0xff;
	_ =	sdelay $0x4  }
0x20: {  	v3 =	vshll.u32 v2, $0x2  }
0x21: {  	v2 =	vand.u32 $0x7, v2;
	v3 =	vand.u32 $0xFFFFFFE0, v3  }
0x22: {  	v2 =	vor.u32 v2, v3  }
0x23: {  	v2 =	vperm.xlane v2, v0;
	_ =	sdelay $0x1  }
0x24: {  	v2 =	vadd.s32 v1, v2;
	_ =	sdelay $0x4  }
0x25: {  	[tilespmem:s19], [sflag:$0x1] =	stream.indirect_vreg.gather [hbm4b:s0+s4], $0x80, v2, vm0, $0xb8;
	[tilespmem:$0xFC00] =	vst v63  }
0x26: {  	_ = 	snop  }
0x27: {  	[tilespmem:s20], [sflag:$0x1] =	stream.indirect_vreg.gather [hbm4b:s8+s4], $0x80, v2, vm0, $0xb8;
	[tilespmem:$0xFC00] =	vst v63  }
0x28: {  	v2 =	vld.msk [tilespmem:s7+$0x0], $0xff;
	_ =	sdelay $0x4  }
0x29: {  	v3 =	vshll.u32 v2, $0x2  }
0x2a: {  	v2 =	vand.u32 $0x7, v2;
	v3 =	vand.u32 $0xFFFFFFE0, v3  }
0x2b: {  	v2 =	vor.u32 v2, v3  }
0x2c: {  	v2 =	vperm.xlane v2, v0;
	_ =	sdelay $0x1  }
0x2d: {  	v2 =	vadd.s32 v1, v2;
	_ =	sdelay $0x4  }
0x2e: {  	[tilespmem:s21], [sflag:$0x1] =	stream.indirect_vreg.gather [hbm4b:s9+s4], $0x80, v2, vm0, $0xb8;
	[tilespmem:$0xFC00] =	vst v63  }
0x2f: {  	_ = 	snop  }
0x30: {  	[tilespmem:s23], [sflag:$0x1] =	stream.indirect_vreg.gather [hbm4b:s22+s4], $0x80, v2, vm0, $0xb8;
	[tilespmem:$0xFC00] =	vst v63  }
0x31: {  	v2 =	vld.msk [tilespmem:s7+$0x0], $0xff;
	_ =	sdelay $0x4  }
0x32: {  	v3 =	vshll.u32 v2, $0x2  }
0x33: {  	v2 =	vand.u32 $0x7, v2;
	v3 =	vand.u32 $0xFFFFFFE0, v3  }
0x34: {  	v2 =	vor.u32 v2, v3  }
0x35: {  	v2 =	vperm.xlane v2, v0;
	_ =	sdelay $0x1  }
0x36: {  	v2 =	vadd.s32 v1, v2;
	_ =	sdelay $0x4  }
0x37: {  	[tilespmem:s24], [sflag:$0x1] =	stream.indirect_vreg.gather [hbm4b:s10+s4], $0x80, v2, vm0, $0xb8;
	[tilespmem:$0xFC00] =	vst v63  }
0x38: {  	_ = 	snop  }
0x39: {  	[tilespmem:s26], [sflag:$0x1] =	stream.indirect_vreg.gather [hbm4b:s25+s4], $0x80, v2, vm0, $0xb8;
	[tilespmem:$0xFC00] =	vst v63  }
0x3a: {  	_ =	swait.ge [sflag:s16], $0x2000  }
0x3b: {  	[sflag:s16] =	ssyncset.done $0x0  }
0x3c: {  	[sflag:s16] =	ssyncadd.s32 $0xFFFFE000  }
0x3d: {  	_ =	swait.ge [sflag:s16], $0x1000  }
0x3e: {  	[sflag:s16] =	ssyncset.done $0x0  }
0x3f: {  	[sflag:s16] =	ssyncadd.s32 $0xFFFFF000  }
0x40: {  	_ =	swait.ge [sflag:s16], $0x1000  }
0x41: {  	[sflag:s16] =	ssyncset.done $0x0  }
0x42: {  	[sflag:s16] =	ssyncadd.s32 $0xFFFFF000  }
0x43: {  	_ =	swait.ge [sflag:s16], $0x1000  }
0x44: {  	[sflag:s16] =	ssyncset.done $0x0  }
0x45: {  	[sflag:s16] =	ssyncadd.s32 $0xFFFFF000  }
0x46: {  	v2 =	vld [tilespmem:$0xC00]  }
0x47: {  	v3 =	vld [tilespmem:$0xC10]  }
0x48: {  	v4 =	vld [tilespmem:$0xC20]  }
0x49: {  	v5 =	vld [tilespmem:$0xC30]  }
0x4a: {  	v6 =	vld [tilespmem:$0xC40]  }
0x4b: {  	[tilespmem:$0x3D80] =	vst v2;
	v2 =	vld [tilespmem:$0xC50]  }
0x4c: {  	v10 =	vld [tilespmem:$0xC70];
	[tilespmem:$0x3D90] =	vst v3  }
0x4d: {  	v11 =	vld [tilespmem:$0x1000];
	[tilespmem:$0x3DA0] =	vst v4  }
0x4e: {  	v12 =	vld [tilespmem:$0x1010];
	[tilespmem:$0x3DB0] =	vst v5  }
0x4f: {  	v3 =	vld [tilespmem:$0xC60];
	[tilespmem:$0x3DC0] =	vst v6  }
0x50: {  	[tilespmem:$0x3DD0] =	vst v2;
	v2 =	vld [tilespmem:$0x1020]  }
0x51: {  	v13 =	vld [tilespmem:$0x1040];
	[tilespmem:$0x3DF0] =	vst v10  }
0x52: {  	v14 =	vld [tilespmem:$0x1050];
	[tilespmem:$0x3F80] =	vst v11  }
0x53: {  	v15 =	vld [tilespmem:$0x1060];
	[tilespmem:$0x3F90] =	vst v12  }
0x54: {  	[tilespmem:$0x3DE0] =	vst v3;
	v3 =	vld [tilespmem:$0x1030]  }
0x55: {  	[tilespmem:$0x3FA0] =	vst v2;
	v2 =	vld [tilespmem:$0x1070]  }
0x56: {  	v16 =	vld [tilespmem:$0x1410];
	[tilespmem:$0x3FC0] =	vst v13  }
0x57: {  	v17 =	vld [tilespmem:$0x1420];
	[tilespmem:$0x3FD0] =	vst v14  }
0x58: {  	v18 =	vld [tilespmem:$0x1430];
	[tilespmem:$0x3FE0] =	vst v15  }
0x59: {  	[tilespmem:$0x3FB0] =	vst v3;
	v3 =	vld [tilespmem:$0x1400]  }
0x5a: {  	[tilespmem:$0x3FF0] =	vst v2;
	v2 =	vld [tilespmem:$0x1440]  }
0x5b: {  	v19 =	vld [tilespmem:$0x1460];
	[tilespmem:$0x4190] =	vst v16  }
0x5c: {  	v20 =	vld [tilespmem:$0x1470];
	[tilespmem:$0x41A0] =	vst v17  }
0x5d: {  	v21 =	vld [tilespmem:$0x1800];
	[tilespmem:$0x41B0] =	vst v18  }
0x5e: {  	[tilespmem:$0x4180] =	vst v3;
	v3 =	vld [tilespmem:$0x1450]  }
0x5f: {  	[tilespmem:$0x41C0] =	vst v2;
	v2 =	vld [tilespmem:$0x1810]  }
0x60: {  	v22 =	vld [tilespmem:$0x1830];
	[tilespmem:$0x41E0] =	vst v19  }
0x61: {  	v23 =	vld [tilespmem:$0x1840];
	[tilespmem:$0x41F0] =	vst v20  }
0x62: {  	v24 =	vld [tilespmem:$0x1850];
	[tilespmem:$0x4380] =	vst v21  }
0x63: {  	[tilespmem:$0x41D0] =	vst v3;
	v3 =	vld [tilespmem:$0x1820]  }
0x64: {  	[tilespmem:$0x4390] =	vst v2;
	v2 =	vld [tilespmem:$0x1860]  }
0x65: {  	v25 =	vld [tilespmem:$0x1C00];
	[tilespmem:$0x43B0] =	vst v22  }
0x66: {  	v26 =	vld [tilespmem:$0x1C10];
	[tilespmem:$0x43C0] =	vst v23  }
0x67: {  	v27 =	vld [tilespmem:$0x1C20];
	[tilespmem:$0x43D0] =	vst v24  }
0x68: {  	[tilespmem:$0x43A0] =	vst v3;
	v3 =	vld [tilespmem:$0x1870]  }
0x69: {  	[tilespmem:$0x43E0] =	vst v2;
	v2 =	vld [tilespmem:$0x1C30]  }
0x6a: {  	v28 =	vld [tilespmem:$0x1C50];
	[tilespmem:$0x4580] =	vst v25  }
0x6b: {  	v29 =	vld [tilespmem:$0x1C60];
	[tilespmem:$0x4590] =	vst v26  }
0x6c: {  	v30 =	vld [tilespmem:$0x1C70];
	[tilespmem:$0x45A0] =	vst v27  }
0x6d: {  	[tilespmem:$0x43F0] =	vst v3;
	v3 =	vld [tilespmem:$0x1C40]  }
0x6e: {  	[tilespmem:$0x45B0] =	vst v2;
	v2 =	vld [tilespmem:$0x2000]  }
0x6f: {  	v31 =	vld [tilespmem:$0x2020];
	[tilespmem:$0x45D0] =	vst v28  }
0x70: {  	v32 =	vld [tilespmem:$0x2030];
	[tilespmem:$0x45E0] =	vst v29  }
0x71: {  	v33 =	vld [tilespmem:$0x2040];
	[tilespmem:$0x45F0] =	vst v30  }
0x72: {  	[tilespmem:$0x45C0] =	vst v3;
	v3 =	vld [tilespmem:$0x2010]  }
0x73: {  	[tilespmem:$0x4780] =	vst v2;
	v2 =	vld [tilespmem:$0x2050]  }
0x74: {  	v34 =	vld [tilespmem:$0x2070];
	[tilespmem:$0x47A0] =	vst v31  }
0x75: {  	v35 =	vld [tilespmem:$0x2400];
	[tilespmem:$0x47B0] =	vst v32  }
0x76: {  	v36 =	vld [tilespmem:$0x2410];
	[tilespmem:$0x47C0] =	vst v33  }
0x77: {  	[tilespmem:$0x4790] =	vst v3;
	v3 =	vld [tilespmem:$0x2060]  }
0x78: {  	[tilespmem:$0x47D0] =	vst v2;
	v2 =	vld [tilespmem:$0x2420]  }
0x79: {  	v37 =	vld [tilespmem:$0x2440];
	[tilespmem:$0x47F0] =	vst v34  }
0x7a: {  	v38 =	vld [tilespmem:$0x2450];
	[tilespmem:$0x4980] =	vst v35  }
0x7b: {  	v39 =	vld [tilespmem:$0x2460];
	[tilespmem:$0x4990] =	vst v36  }
0x7c: {  	[tilespmem:$0x47E0] =	vst v3;
	v3 =	vld [tilespmem:$0x2430]  }
0x7d: {  	[tilespmem:$0x49A0] =	vst v2;
	v2 =	vld [tilespmem:$0x2470]  }
0x7e: {  	v40 =	vld [tilespmem:$0x2810];
	[tilespmem:$0x49C0] =	vst v37  }
0x7f: {  	v41 =	vld [tilespmem:$0x2820];
	[tilespmem:$0x49D0] =	vst v38  }
0x80: {  	v42 =	vld [tilespmem:$0x2830];
	[tilespmem:$0x49E0] =	vst v39  }
0x81: {  	[tilespmem:$0x49B0] =	vst v3;
	v3 =	vld [tilespmem:$0x2800]  }
0x82: {  	[tilespmem:$0x49F0] =	vst v2;
	v2 =	vld [tilespmem:$0x2840]  }
0x83: {  	v43 =	vld [tilespmem:$0x2860];
	[tilespmem:$0x4B90] =	vst v40  }
0x84: {  	v44 =	vld [tilespmem:$0x2870];
	[tilespmem:$0x4BA0] =	vst v41  }
0x85: {  	v45 =	vld [tilespmem:$0x2C00];
	[tilespmem:$0x4BB0] =	vst v42  }
0x86: {  	[tilespmem:$0x4B80] =	vst v3;
	v3 =	vld [tilespmem:$0x2850]  }
0x87: {  	[tilespmem:$0x4BC0] =	vst v2;
	v2 =	vld [tilespmem:$0x2C10]  }
0x88: {  	v46 =	vld [tilespmem:$0x2C30];
	[tilespmem:$0x4BE0] =	vst v43  }
0x89: {  	v47 =	vld [tilespmem:$0x2C40];
	[tilespmem:$0x4BF0] =	vst v44  }
0x8a: {  	v48 =	vld [tilespmem:$0x2C50];
	[tilespmem:$0x4D80] =	vst v45  }
0x8b: {  	[tilespmem:$0x4BD0] =	vst v3;
	v3 =	vld [tilespmem:$0x2C20]  }
0x8c: {  	[tilespmem:$0x4D90] =	vst v2;
	v2 =	vld [tilespmem:$0x2C60]  }
0x8d: {  	v49 =	vld [tilespmem:$0x3000];
	[tilespmem:$0x4DB0] =	vst v46  }
0x8e: {  	v50 =	vld [tilespmem:$0x3010];
	[tilespmem:$0x4DC0] =	vst v47  }
0x8f: {  	v51 =	vld [tilespmem:$0x3020];
	[tilespmem:$0x4DD0] =	vst v48  }
0x90: {  	[tilespmem:$0x4DA0] =	vst v3;
	v3 =	vld [tilespmem:$0x2C70]  }
0x91: {  	[tilespmem:$0x4DE0] =	vst v2;
	v2 =	vld [tilespmem:$0x3030]  }
0x92: {  	v52 =	vld [tilespmem:$0x3050];
	[tilespmem:$0x4F80] =	vst v49  }
0x93: {  	v53 =	vld [tilespmem:$0x3060];
	[tilespmem:$0x4F90] =	vst v50  }
0x94: {  	v54 =	vld [tilespmem:$0x3070];
	[tilespmem:$0x4FA0] =	vst v51  }
0x95: {  	[tilespmem:$0x4DF0] =	vst v3;
	v3 =	vld [tilespmem:$0x3040]  }
0x96: {  	[tilespmem:$0x4FB0] =	vst v2;
	v2 =	vld [tilespmem:$0x3400]  }
0x97: {  	v55 =	vld [tilespmem:$0x3420];
	[tilespmem:$0x4FD0] =	vst v52  }
0x98: {  	v56 =	vld [tilespmem:$0x3430];
	[tilespmem:$0x4FE0] =	vst v53  }
0x99: {  	v57 =	vld [tilespmem:$0x3440];
	[tilespmem:$0x4FF0] =	vst v54  }
0x9a: {  	[tilespmem:$0x4FC0] =	vst v3;
	v3 =	vld [tilespmem:$0x3410]  }
0x9b: {  	[tilespmem:$0x5180] =	vst v2;
	v2 =	vld [tilespmem:$0x3450]  }
0x9c: {  	v58 =	vld [tilespmem:$0x3470];
	[tilespmem:$0x51A0] =	vst v55  }
0x9d: {  	v59 =	vld [tilespmem:$0x3800];
	[tilespmem:$0x51B0] =	vst v56  }
0x9e: {  	v60 =	vld [tilespmem:$0x3810];
	[tilespmem:$0x51C0] =	vst v57  }
0x9f: {  	[tilespmem:$0x5190] =	vst v3;
	v3 =	vld [tilespmem:$0x3460]  }
0xa0: {  	[tilespmem:$0x51D0] =	vst v2;
	v2 =	vld [tilespmem:$0x3820]  }
0xa1: {  	v61 =	vld [tilespmem:$0x3840];
	[tilespmem:$0x51F0] =	vst v58  }
0xa2: {  	v62 =	vld [tilespmem:$0x3850];
	[tilespmem:$0x5380] =	vst v59  }
0xa3: {  	v63 =	vld [tilespmem:$0x3860];
	[tilespmem:$0x5390] =	vst v60  }
0xa4: {  	[tilespmem:$0x51E0] =	vst v3;
	v3 =	vld [tilespmem:$0x3830]  }
0xa5: {  	[tilespmem:$0x53A0] =	vst v2;
	v2 =	vld [tilespmem:$0x3870]  }
0xa6: {  	[tilespmem:$0x53C0] =	vst v61  }
0xa7: {  	[tilespmem:$0x53D0] =	vst v62  }
0xa8: {  	[tilespmem:$0x53E0] =	vst v63  }
0xa9: {  	[tilespmem:$0x53B0] =	vst v3  }
0xaa: {  	[tilespmem:$0x53F0] =	vst v2  }
0xab: {  	[hbm4b:s11+s4] =	stream.linear.scatter [tilespmem:s18], [sflag:$0x2], $0x2000, $0x38;
	[tilespmem:$0xFC00] =	vst v63  }
0xac: {  	_ =	swait.ge [sflag:s17], $0x2000  }
0xad: {  	[sflag:s17] =	ssyncset.done $0x0  }
0xae: {  	[sflag:s17] =	ssyncadd.s32 $0xFFFFE000  }
.LBB2_4:
0xaf: {  	s14 =	sadd.s32 $0xFFFFFFFF, s14  }
0xb0: {  	p1 =	sne.s32 s14, $0x0  }
.Ltmp1:
0xb1: {  	_ = 	snop;
	(pc) =	sbr.rel @!p1 .LBB2_5-.Ltmp1, $1  }
0xb2: {  	_ =	sdelay $0x3  }
.LBB2_1:
.Ltmp2:
0xb3: {  	(pc) =	sbr.rel @p0 .LBB2_3-.Ltmp2, $1  }
0xb4: {  	_ =	sdelay $0x3  }
0xb5: {  	[tilespmem:s15], [sflag:$0x1] =	stream.linear.gather [hbm4b:s12+s4], $0xA000, $0x38;
	[tilespmem:$0xFC00] =	vst v63  }
0xb6: {  	_ =	swait.ge [sflag:s16], $0xA000  }
0xb7: {  	[sflag:s16] =	ssyncset.done $0x0  }
.Ltmp3:
0xb8: {  	[sflag:s16] =	ssyncadd.s32 $0xFFFF6000;
	(pc) =	sbr.rel .LBB2_4-.Ltmp3, $4  }
0xb9: {  	[hbm4b:s13+s4] =	stream.linear.scatter [tilespmem:s15], [sflag:$0x1], $0xA000, $0x38;
	[tilespmem:$0xFC00] =	vst v63  }
0xba: {  	_ =	swait.ge [sflag:s16], $0xA000  }
0xbb: {  	[sflag:s16] =	ssyncset.done $0x0  }
0xbc: {  	[sflag:s16] =	ssyncadd.s32 $0xFFFF6000  }
.LBB2_5:
0xbd: {  	_ =	sfence.sel $0x180000  }
0xbe: {  	[bflag:$0x0] =	sbarrier.arrive $0xFFFF  }
0xbf: {  	p0 =	sne.s32 s1, $0x0;
	_ =	strace $0x90000047  }
0xc0: {  	s0 =	sadd.s32 @!p0 $0x100000, s3;
	[bflag:$0x2] =	sbarrier.arrive $0xFFFF  }
0xc1: {  	[sflag:s0] =	ssyncadd.tile.s32 @!p0 $0x1;
	_ =	shalt  }
.Lfunc_end2:
_tile_overlayer_lowered:
.L_overlay_start_2:
0xc2: {  	(tag) =	ssettag $0x2  }
0xc3: {  	s0 =	rddreg [dreg:$0x0];
	s2 =	stileid.u32  }
0xc4: {  	s1 =	rddreg [dreg:$0x1];
	p0 =	sne.s32 s2, $0x0  }
0xc5: {  	s3 =	rddreg [dreg:$0x2];
	[bflag:$0x3] =	sbarrier.arrive $0xFFFF;
	s2 =	simm.s32 @!p0 $0x1C02  }
0xc6: {  	[timem:s3], [sflag:s2] =	dma.local @!p0 [hbm:s0], s1  }
0xc7: {  	s0 =	simm.s32 @!p0 $0x2  }
0xc8: {  	_ =	swait.ge @!p0 [sflag:s0], s1  }
0xc9: {  	s1 =	ssub.s32 @!p0 $0x0, s1;
	[sflag:s0] =	ssyncset.done @!p0 $0x0  }
0xca: {  	[sflag:s0] =	ssyncadd.s32 @!p0 s1  }
0xcb: {  	[bflag:$0x3] =	sbarrier.arrive $0xFFFF  }
0xcc: {  	_ =	shalt  }

</sc_bundles>
